<compile_context>
chip_gen: v7x
topology: tpu7x:2x2x1
jax: 0.10.2.dev20260603
libtpu: 0.0.44.dev20260713+nightly
codegen_flags: <defaults>
</compile_context>

<pallas_src>
import functools

import jax
import jax.numpy as jnp
from jax import lax
from jax.experimental import pallas as pl
from jax.experimental.pallas import tpu as pltpu
from jax.experimental.pallas import tpu_sc as plsc

_L = 16
_B = 97
_N_FULL = 6


def _body(xf_hbm, xw_hbm, xs_hbm, e1_hbm, e2_hbm, w0_hbm, b0_hbm, w1_hbm,
          b1_hbm, w2_hbm, b2_hbm, out_hbm,
          e1_v, e2_v, w0_v, b0_v, w1_v, b1_v, wb_v,
          xf_v, xw_v, xs_v, z_v, out_v, sem):
    wid = lax.axis_index("s")

    @pl.when(wid <= _N_FULL)
    def _():
        cps = [pltpu.async_copy(s, d, sem) for s, d in (
            (e1_hbm, e1_v), (e2_hbm, e2_v), (w0_hbm, w0_v), (b0_hbm, b0_v),
            (w1_hbm, w1_v), (b1_hbm, b1_v),
            (w2_hbm, wb_v.at[pl.ds(8, 8)]), (b2_hbm, wb_v.at[pl.ds(16, 8)]),
        )]

        for s, d in ((xf_hbm, xf_v), (xw_hbm, xw_v), (xs_hbm, xs_v)):
            cps.append(pltpu.async_copy(
                s.at[pl.ds(pl.multiple_of(wid * _L, _L), _L)], d, sem))

        for cp in cps:
            cp.wait()

        lanes = lax.iota(jnp.int32, _L)
        col4 = lax.rem(lanes, 4)

        def splat(v):
            return jnp.full((_L,), v, jnp.int32)

        def off(x, c):
            return x if c == 0 else x + c

        for half in range(2):
            flat = off(lanes, half * _L)
            row1 = lax.div(flat, 4)
            row2 = lax.min(row1, splat(4))
            acc1 = plsc.load_gather(b0_v, [col4])
            acc2 = plsc.load_gather(b1_v, [col4])
            for k in range(3):
                a1 = plsc.load_gather(e1_v, [off(row1 * 3, k)])
                w0 = plsc.load_gather(w0_v, [off(col4, k * 4)])
                acc1 = acc1 + a1 * w0
                a2 = plsc.load_gather(e2_v, [off(row2 * 3, k)])
                w1 = plsc.load_gather(w1_v, [off(col4, k * 4)])
                acc2 = acc2 + a2 * w1
            z_v[pl.ds(half * _L, _L)] = acc1
            z_v[pl.ds(32 + half * _L, _L)] = acc2

        ft = xf_v[...]
        wk = xw_v[...]
        st = xs_v[...]
        rowbase = lanes * _L

        for j in range(8):
            colv = ft * plsc.load_gather(wb_v, [splat(8 + j)]) \
                + plsc.load_gather(wb_v, [splat(16 + j)])
            plsc.store_scatter(out_v, [off(rowbase, j)], colv)
        for j in range(4):
            plsc.store_scatter(out_v, [off(rowbase, 8 + j)],
                               plsc.load_gather(z_v, [off(st * 4, 32 + j)]))
            plsc.store_scatter(out_v, [off(rowbase, 12 + j)],
                               plsc.load_gather(z_v, [off(wk * 4, j)]))

        @pl.when(wid < _N_FULL)
        def _():
            pltpu.sync_copy(
                out_v,
                out_hbm.at[pl.ds(pl.multiple_of(wid * _L * _L, _L * _L),
                                 _L * _L)])

        @pl.when(wid == _N_FULL)
        def _():
            pltpu.sync_copy(out_v.at[pl.ds(0, _L)],
                            out_hbm.at[pl.ds(_N_FULL * _L * _L, _L)])


@functools.partial(
    pl.kernel,
    mesh=plsc.VectorSubcoreMesh(core_axis_name="c", subcore_axis_name="s",
                                num_cores=1, num_subcores=_N_FULL + 1),
    out_type=jax.ShapeDtypeStruct((_B * _L,), jnp.float32),
    compiler_params=pltpu.CompilerParams(needs_layout_passes=False,
                                         skip_device_barrier=True),
    scratch_types=[
        pltpu.VMEM((24,), jnp.float32),
        pltpu.VMEM((15,), jnp.float32),
        pltpu.VMEM((12,), jnp.float32),
        pltpu.VMEM((4,), jnp.float32),
        pltpu.VMEM((12,), jnp.float32),
        pltpu.VMEM((4,), jnp.float32),
        pltpu.VMEM((24,), jnp.float32),
        pltpu.VMEM((_L,), jnp.float32),
        pltpu.VMEM((_L,), jnp.int32),
        pltpu.VMEM((_L,), jnp.int32),
        pltpu.VMEM((64,), jnp.float32),
        pltpu.VMEM((_L * _L,), jnp.float32),
        pltpu.SemaphoreType.DMA,
    ],
)
def _sc_kernel(*refs):
    _body(*refs)


def kernel(X_feature, X_week, X_stamp, emb1, emb2, W0, b0, W1, b1, W2, b2):
    f32 = jnp.float32
    pad = _N_FULL * _L + _L - _B
    out = _sc_kernel(
        jnp.pad(X_feature.astype(f32), (0, pad)),
        jnp.pad(X_week.astype(jnp.int32), (0, pad)),
        jnp.pad(X_stamp.astype(jnp.int32), (0, pad)),
        emb1.reshape(-1).astype(f32),
        emb2.reshape(-1).astype(f32),
        W0.reshape(-1).astype(f32),
        b0.astype(f32),
        W1.reshape(-1).astype(f32),
        b1.astype(f32),
        W2.reshape(-1).astype(f32),
        b2.astype(f32),
    )
    return out.reshape(_B, _L)

# --- scband reference (transcript-rebuilt; emitter-appended) ---
"""Pipeline reference for scband-embedding-30245159699000 (READ-ONLY COPY).

The authoritative reference and input builder live on the scoring server;
editing this copy changes nothing except your own understanding.
"""

import jax, jax.numpy as jnp
import numpy as np


def setup_inputs(seed: int = 0) -> dict:
    key = jax.random.key(seed)
    ks = jax.random.split(key, 12)
    X_feature = jax.random.normal(ks[0], (97,), dtype=jnp.float32)
    X_week = jax.random.randint(ks[1], (97,), 0, 8, dtype=jnp.int64)
    X_stamp = jax.random.randint(ks[2], (97,), 0, 5, dtype=jnp.int64)
    # learned parameters
    emb1 = jax.random.normal(ks[3], (8, 3), dtype=jnp.float32)
    emb2 = jax.random.normal(ks[4], (5, 3), dtype=jnp.float32)
    W0 = jax.random.normal(ks[5], (3, 4), dtype=jnp.float32) * (1.0 / np.sqrt(3))
    b0 = jax.random.normal(ks[6], (4,), dtype=jnp.float32) * 0.01
    W1 = jax.random.normal(ks[7], (3, 4), dtype=jnp.float32) * (1.0 / np.sqrt(3))
    b1 = jax.random.normal(ks[8], (4,), dtype=jnp.float32) * 0.01
    W2 = jax.random.normal(ks[9], (1, 8), dtype=jnp.float32)
    b2 = jax.random.normal(ks[10], (8,), dtype=jnp.float32) * 0.01
    return {"X_feature": X_feature, "X_week": X_week, "X_stamp": X_stamp,
            "emb1": emb1, "emb2": emb2,
            "W0": W0, "b0": b0, "W1": W1, "b1": b1, "W2": W2, "b2": b2}


def reference(X_feature, X_week, X_stamp, emb1, emb2, W0, b0, W1, b1, W2, b2):
    # embedding lookups (gather)
    X1 = jnp.take(emb1, X_week, axis=0)                 # [97, 3]
    X1 = X1.reshape(97, 3) @ W0 + b0                    # [97, 4]
    X2 = jnp.take(emb2, X_stamp, axis=0)                # [97, 3]
    X2 = X2.reshape(97, 3) @ W1 + b1                    # [97, 4]
    X3 = X_feature.reshape(97, 1) @ W2 + b2             # [97, 8]
    return jnp.concatenate((X3, X2, X1), axis=1)        # [97, 16]

if __name__ == "__main__":
    import jax
    _d = setup_inputs()
    print(jax.jit(kernel)(*tuple(_d.values())))

</pallas_src>

<mosaic_0001>
#map = affine_map<(d0, d1) -> (0)>
module attributes {stable_mosaic.version = 14 : i64} {
  func.func @_sc_kernel(%arg0: i32, %arg1: i32, %arg2: memref<112xf32, #tpu.memory_space<hbm>>, %arg3: memref<112xi32, #tpu.memory_space<hbm>>, %arg4: memref<112xi32, #tpu.memory_space<hbm>>, %arg5: memref<24xf32, #tpu.memory_space<hbm>>, %arg6: memref<15xf32, #tpu.memory_space<hbm>>, %arg7: memref<12xf32, #tpu.memory_space<hbm>>, %arg8: memref<4xf32, #tpu.memory_space<hbm>>, %arg9: memref<12xf32, #tpu.memory_space<hbm>>, %arg10: memref<4xf32, #tpu.memory_space<hbm>>, %arg11: memref<8xf32, #tpu.memory_space<hbm>>, %arg12: memref<8xf32, #tpu.memory_space<hbm>>, %arg13: memref<1552xf32, #tpu.memory_space<hbm>>, %arg14: memref<24xf32, #tpu.memory_space<vmem>>, %arg15: memref<15xf32, #tpu.memory_space<vmem>>, %arg16: memref<12xf32, #tpu.memory_space<vmem>>, %arg17: memref<4xf32, #tpu.memory_space<vmem>>, %arg18: memref<12xf32, #tpu.memory_space<vmem>>, %arg19: memref<4xf32, #tpu.memory_space<vmem>>, %arg20: memref<24xf32, #tpu.memory_space<vmem>>, %arg21: memref<16xf32, #tpu.memory_space<vmem>>, %arg22: memref<16xi32, #tpu.memory_space<vmem>>, %arg23: memref<16xi32, #tpu.memory_space<vmem>>, %arg24: memref<64xf32, #tpu.memory_space<vmem>>, %arg25: memref<256xf32, #tpu.memory_space<vmem>>, %arg26: memref<!tpu.dma_semaphore, #tpu.memory_space<semaphore_mem>>) attributes {dimension_semantics = [#tpu.dimension_semantics<core_parallel>, #tpu.dimension_semantics<subcore_parallel>], iteration_bounds = array<i64: 1, 7>, scalar_prefetch = 0 : i64, scratch_operands = 13 : i64, tpu.core_type = #tpu.core_type<sc_vector_subcore>, window_params = [{transform_indices = #map}, {transform_indices = #map}, {transform_indices = #map}, {transform_indices = #map}, {transform_indices = #map}, {transform_indices = #map}, {transform_indices = #map}, {transform_indices = #map}, {transform_indices = #map}, {transform_indices = #map}, {transform_indices = #map}, {transform_indices = #map}]} {
    %le3A = arith.constant 6 : i32
    %le3A_0 = arith.cmpi sle, %arg1, %le3A : i32
    %convert_element_type3A = arith.extui %le3A_0 : i1 to i32
    %cond3A = arith.constant 0 : i32
    %cond3A_1 = arith.cmpi ne, %convert_element_type3A, %cond3A : i32
    scf.if %cond3A_1 {
      tpu.enqueue_dma source(%arg5 : memref<24xf32, #tpu.memory_space<hbm>>) target(%arg14 : memref<24xf32, #tpu.memory_space<vmem>>) target_semaphore(%arg26 : memref<!tpu.dma_semaphore, #tpu.memory_space<semaphore_mem>>)
      tpu.enqueue_dma source(%arg6 : memref<15xf32, #tpu.memory_space<hbm>>) target(%arg15 : memref<15xf32, #tpu.memory_space<vmem>>) target_semaphore(%arg26 : memref<!tpu.dma_semaphore, #tpu.memory_space<semaphore_mem>>)
      tpu.enqueue_dma source(%arg7 : memref<12xf32, #tpu.memory_space<hbm>>) target(%arg16 : memref<12xf32, #tpu.memory_space<vmem>>) target_semaphore(%arg26 : memref<!tpu.dma_semaphore, #tpu.memory_space<semaphore_mem>>)
      tpu.enqueue_dma source(%arg8 : memref<4xf32, #tpu.memory_space<hbm>>) target(%arg17 : memref<4xf32, #tpu.memory_space<vmem>>) target_semaphore(%arg26 : memref<!tpu.dma_semaphore, #tpu.memory_space<semaphore_mem>>)
      tpu.enqueue_dma source(%arg9 : memref<12xf32, #tpu.memory_space<hbm>>) target(%arg18 : memref<12xf32, #tpu.memory_space<vmem>>) target_semaphore(%arg26 : memref<!tpu.dma_semaphore, #tpu.memory_space<semaphore_mem>>)
      tpu.enqueue_dma source(%arg10 : memref<4xf32, #tpu.memory_space<hbm>>) target(%arg19 : memref<4xf32, #tpu.memory_space<vmem>>) target_semaphore(%arg26 : memref<!tpu.dma_semaphore, #tpu.memory_space<semaphore_mem>>)
      %dma_start3A = arith.constant 8 : i32
      %dma_start3A_2 = tpu.memref_slice %arg20[%dma_start3A] : memref<24xf32, #tpu.memory_space<vmem>> -> memref<8xf32, #tpu.memory_space<vmem>>
      %dma_start3A_3 = arith.constant 8 : i32
      %dma_start3A_4 = tpu.memref_slice %arg20[%dma_start3A_3] : memref<24xf32, #tpu.memory_space<vmem>> -> memref<8xf32, #tpu.memory_space<vmem>>
      tpu.enqueue_dma source(%arg11 : memref<8xf32, #tpu.memory_space<hbm>>) target(%dma_start3A_4 : memref<8xf32, #tpu.memory_space<vmem>>) target_semaphore(%arg26 : memref<!tpu.dma_semaphore, #tpu.memory_space<semaphore_mem>>)
      %dma_start3A_5 = arith.constant 16 : i32
      %dma_start3A_6 = tpu.memref_slice %arg20[%dma_start3A_5] : memref<24xf32, #tpu.memory_space<vmem>> -> memref<8xf32, #tpu.memory_space<vmem>>
      %dma_start3A_7 = arith.constant 16 : i32
      %dma_start3A_8 = tpu.memref_slice %arg20[%dma_start3A_7] : memref<24xf32, #tpu.memory_space<vmem>> -> memref<8xf32, #tpu.memory_space<vmem>>
      tpu.enqueue_dma source(%arg12 : memref<8xf32, #tpu.memory_space<hbm>>) target(%dma_start3A_8 : memref<8xf32, #tpu.memory_space<vmem>>) target_semaphore(%arg26 : memref<!tpu.dma_semaphore, #tpu.memory_space<semaphore_mem>>)
      %mul3A = arith.constant 16 : i32
      %mul3A_9 = arith.muli %arg1, %mul3A : i32
      %multiple_of3A = tpu.assume_multiple %mul3A_9, 16 : i32
      %dma_start3A_10 = tpu.memref_slice %arg2[%multiple_of3A] : memref<112xf32, #tpu.memory_space<hbm>> -> memref<16xf32, #tpu.memory_space<hbm>>
      %dma_start3A_11 = tpu.memref_slice %arg2[%multiple_of3A] : memref<112xf32, #tpu.memory_space<hbm>> -> memref<16xf32, #tpu.memory_space<hbm>>
      tpu.enqueue_dma source(%dma_start3A_11 : memref<16xf32, #tpu.memory_space<hbm>>) target(%arg21 : memref<16xf32, #tpu.memory_space<vmem>>) target_semaphore(%arg26 : memref<!tpu.dma_semaphore, #tpu.memory_space<semaphore_mem>>)
      %mul3A_12 = arith.constant 16 : i32
      %mul3A_13 = arith.muli %arg1, %mul3A_12 : i32
      %multiple_of3A_14 = tpu.assume_multiple %mul3A_13, 16 : i32
      %dma_start3A_15 = tpu.memref_slice %arg3[%multiple_of3A_14] : memref<112xi32, #tpu.memory_space<hbm>> -> memref<16xi32, #tpu.memory_space<hbm>>
      %dma_start3A_16 = tpu.memref_slice %arg3[%multiple_of3A_14] : memref<112xi32, #tpu.memory_space<hbm>> -> memref<16xi32, #tpu.memory_space<hbm>>
      tpu.enqueue_dma source(%dma_start3A_16 : memref<16xi32, #tpu.memory_space<hbm>>) target(%arg22 : memref<16xi32, #tpu.memory_space<vmem>>) target_semaphore(%arg26 : memref<!tpu.dma_semaphore, #tpu.memory_space<semaphore_mem>>)
      %mul3A_17 = arith.constant 16 : i32
      %mul3A_18 = arith.muli %arg1, %mul3A_17 : i32
      %multiple_of3A_19 = tpu.assume_multiple %mul3A_18, 16 : i32
      %dma_start3A_20 = tpu.memref_slice %arg4[%multiple_of3A_19] : memref<112xi32, #tpu.memory_space<hbm>> -> memref<16xi32, #tpu.memory_space<hbm>>
      %dma_start3A_21 = tpu.memref_slice %arg4[%multiple_of3A_19] : memref<112xi32, #tpu.memory_space<hbm>> -> memref<16xi32, #tpu.memory_space<hbm>>
      tpu.enqueue_dma source(%dma_start3A_21 : memref<16xi32, #tpu.memory_space<hbm>>) target(%arg23 : memref<16xi32, #tpu.memory_space<vmem>>) target_semaphore(%arg26 : memref<!tpu.dma_semaphore, #tpu.memory_space<semaphore_mem>>)
      tpu.wait_dma2 semaphore(%arg26 : memref<!tpu.dma_semaphore, #tpu.memory_space<semaphore_mem>>) src(%arg5 : memref<24xf32, #tpu.memory_space<hbm>>) dst(%arg14 : memref<24xf32, #tpu.memory_space<vmem>>)
      tpu.wait_dma2 semaphore(%arg26 : memref<!tpu.dma_semaphore, #tpu.memory_space<semaphore_mem>>) src(%arg6 : memref<15xf32, #tpu.memory_space<hbm>>) dst(%arg15 : memref<15xf32, #tpu.memory_space<vmem>>)
      tpu.wait_dma2 semaphore(%arg26 : memref<!tpu.dma_semaphore, #tpu.memory_space<semaphore_mem>>) src(%arg7 : memref<12xf32, #tpu.memory_space<hbm>>) dst(%arg16 : memref<12xf32, #tpu.memory_space<vmem>>)
      tpu.wait_dma2 semaphore(%arg26 : memref<!tpu.dma_semaphore, #tpu.memory_space<semaphore_mem>>) src(%arg8 : memref<4xf32, #tpu.memory_space<hbm>>) dst(%arg17 : memref<4xf32, #tpu.memory_space<vmem>>)
      tpu.wait_dma2 semaphore(%arg26 : memref<!tpu.dma_semaphore, #tpu.memory_space<semaphore_mem>>) src(%arg9 : memref<12xf32, #tpu.memory_space<hbm>>) dst(%arg18 : memref<12xf32, #tpu.memory_space<vmem>>)
      tpu.wait_dma2 semaphore(%arg26 : memref<!tpu.dma_semaphore, #tpu.memory_space<semaphore_mem>>) src(%arg10 : memref<4xf32, #tpu.memory_space<hbm>>) dst(%arg19 : memref<4xf32, #tpu.memory_space<vmem>>)
      %dma_wait3A = arith.constant 8 : i32
      %dma_wait3A_22 = tpu.memref_slice %arg20[%dma_wait3A] : memref<24xf32, #tpu.memory_space<vmem>> -> memref<8xf32, #tpu.memory_space<vmem>>
      %dma_wait3A_23 = arith.constant 8 : i32
      %dma_wait3A_24 = tpu.memref_slice %arg20[%dma_wait3A_23] : memref<24xf32, #tpu.memory_space<vmem>> -> memref<8xf32, #tpu.memory_space<vmem>>
      tpu.wait_dma2 semaphore(%arg26 : memref<!tpu.dma_semaphore, #tpu.memory_space<semaphore_mem>>) src(%arg11 : memref<8xf32, #tpu.memory_space<hbm>>) dst(%dma_wait3A_24 : memref<8xf32, #tpu.memory_space<vmem>>)
      %dma_wait3A_25 = arith.constant 16 : i32
      %dma_wait3A_26 = tpu.memref_slice %arg20[%dma_wait3A_25] : memref<24xf32, #tpu.memory_space<vmem>> -> memref<8xf32, #tpu.memory_space<vmem>>
      %dma_wait3A_27 = arith.constant 16 : i32
      %dma_wait3A_28 = tpu.memref_slice %arg20[%dma_wait3A_27] : memref<24xf32, #tpu.memory_space<vmem>> -> memref<8xf32, #tpu.memory_space<vmem>>
      tpu.wait_dma2 semaphore(%arg26 : memref<!tpu.dma_semaphore, #tpu.memory_space<semaphore_mem>>) src(%arg12 : memref<8xf32, #tpu.memory_space<hbm>>) dst(%dma_wait3A_28 : memref<8xf32, #tpu.memory_space<vmem>>)
      %dma_wait3A_29 = tpu.memref_slice %arg2[%multiple_of3A] : memref<112xf32, #tpu.memory_space<hbm>> -> memref<16xf32, #tpu.memory_space<hbm>>
      %dma_wait3A_30 = tpu.memref_slice %arg2[%multiple_of3A] : memref<112xf32, #tpu.memory_space<hbm>> -> memref<16xf32, #tpu.memory_space<hbm>>
      tpu.wait_dma2 semaphore(%arg26 : memref<!tpu.dma_semaphore, #tpu.memory_space<semaphore_mem>>) src(%dma_wait3A_30 : memref<16xf32, #tpu.memory_space<hbm>>) dst(%arg21 : memref<16xf32, #tpu.memory_space<vmem>>)
      %dma_wait3A_31 = tpu.memref_slice %arg3[%multiple_of3A_14] : memref<112xi32, #tpu.memory_space<hbm>> -> memref<16xi32, #tpu.memory_space<hbm>>
      %dma_wait3A_32 = tpu.memref_slice %arg3[%multiple_of3A_14] : memref<112xi32, #tpu.memory_space<hbm>> -> memref<16xi32, #tpu.memory_space<hbm>>
      tpu.wait_dma2 semaphore(%arg26 : memref<!tpu.dma_semaphore, #tpu.memory_space<semaphore_mem>>) src(%dma_wait3A_32 : memref<16xi32, #tpu.memory_space<hbm>>) dst(%arg22 : memref<16xi32, #tpu.memory_space<vmem>>)
      %dma_wait3A_33 = tpu.memref_slice %arg4[%multiple_of3A_19] : memref<112xi32, #tpu.memory_space<hbm>> -> memref<16xi32, #tpu.memory_space<hbm>>
      %dma_wait3A_34 = tpu.memref_slice %arg4[%multiple_of3A_19] : memref<112xi32, #tpu.memory_space<hbm>> -> memref<16xi32, #tpu.memory_space<hbm>>
      tpu.wait_dma2 semaphore(%arg26 : memref<!tpu.dma_semaphore, #tpu.memory_space<semaphore_mem>>) src(%dma_wait3A_34 : memref<16xi32, #tpu.memory_space<hbm>>) dst(%arg23 : memref<16xi32, #tpu.memory_space<vmem>>)
      %iota3A = tpu.iota {dimensions = array<i32: 0>} : vector<16xi32>
      %rem3A = arith.constant 4 : i32
      %rem3A_35 = vector.broadcast %rem3A : i32 to vector<16xi32>
      %rem3A_36 = arith.remsi %iota3A, %rem3A_35 : vector<16xi32>
      %div3A = arith.constant 4 : i32
      %div3A_37 = vector.broadcast %div3A : i32 to vector<16xi32>
      %div3A_38 = arith.divsi %iota3A, %div3A_37 : vector<16xi32>
      %broadcast_in_dim3A = arith.constant 4 : i32
      %broadcast_in_dim3A_39 = vector.broadcast %broadcast_in_dim3A : i32 to vector<16xi32>
      %min3A = arith.minsi %div3A_38, %broadcast_in_dim3A_39 : vector<16xi32>
      %gather3A = tpu.vector_load_idx %arg17[%rem3A_36] : memref<4xf32, #tpu.memory_space<vmem>>[vector<16xi32>], vector<16xf32>,
      %gather3A_40 = tpu.vector_load_idx %arg19[%rem3A_36] : memref<4xf32, #tpu.memory_space<vmem>>[vector<16xi32>], vector<16xf32>,
      %mul3A_41 = arith.constant 3 : i32
      %mul3A_42 = vector.broadcast %mul3A_41 : i32 to vector<16xi32>
      %mul3A_43 = arith.muli %div3A_38, %mul3A_42 : vector<16xi32>
      %gather3A_44 = tpu.vector_load_idx %arg14[%mul3A_43] : memref<24xf32, #tpu.memory_space<vmem>>[vector<16xi32>], vector<16xf32>,
      %gather3A_45 = tpu.vector_load_idx %arg16[%rem3A_36] : memref<12xf32, #tpu.memory_space<vmem>>[vector<16xi32>], vector<16xf32>,
      %mul3A_46 = arith.mulf %gather3A_44, %gather3A_45 : vector<16xf32>
      %add3A = arith.addf %gather3A, %mul3A_46 : vector<16xf32>
      %mul3A_47 = arith.constant 3 : i32
      %mul3A_48 = vector.broadcast %mul3A_47 : i32 to vector<16xi32>
      %mul3A_49 = arith.muli %min3A, %mul3A_48 : vector<16xi32>
      %gather3A_50 = tpu.vector_load_idx %arg15[%mul3A_49] : memref<15xf32, #tpu.memory_space<vmem>>[vector<16xi32>], vector<16xf32>,
      %gather3A_51 = tpu.vector_load_idx %arg18[%rem3A_36] : memref<12xf32, #tpu.memory_space<vmem>>[vector<16xi32>], vector<16xf32>,
      %mul3A_52 = arith.mulf %gather3A_50, %gather3A_51 : vector<16xf32>
      %add3A_53 = arith.addf %gather3A_40, %mul3A_52 : vector<16xf32>
      %mul3A_54 = arith.constant 3 : i32
      %mul3A_55 = vector.broadcast %mul3A_54 : i32 to vector<16xi32>
      %mul3A_56 = arith.muli %div3A_38, %mul3A_55 : vector<16xi32>
      %add3A_57 = arith.constant 1 : i32
      %add3A_58 = vector.broadcast %add3A_57 : i32 to vector<16xi32>
      %add3A_59 = arith.addi %mul3A_56, %add3A_58 : vector<16xi32>
      %gather3A_60 = tpu.vector_load_idx %arg14[%add3A_59] : memref<24xf32, #tpu.memory_space<vmem>>[vector<16xi32>], vector<16xf32>,
      %add3A_61 = arith.constant 4 : i32
      %add3A_62 = vector.broadcast %add3A_61 : i32 to vector<16xi32>
      %add3A_63 = arith.addi %rem3A_36, %add3A_62 : vector<16xi32>
      %gather3A_64 = tpu.vector_load_idx %arg16[%add3A_63] : memref<12xf32, #tpu.memory_space<vmem>>[vector<16xi32>], vector<16xf32>,
      %mul3A_65 = arith.mulf %gather3A_60, %gather3A_64 : vector<16xf32>
      %add3A_66 = arith.addf %add3A, %mul3A_65 : vector<16xf32>
      %mul3A_67 = arith.constant 3 : i32
      %mul3A_68 = vector.broadcast %mul3A_67 : i32 to vector<16xi32>
      %mul3A_69 = arith.muli %min3A, %mul3A_68 : vector<16xi32>
      %add3A_70 = arith.constant 1 : i32
      %add3A_71 = vector.broadcast %add3A_70 : i32 to vector<16xi32>
      %add3A_72 = arith.addi %mul3A_69, %add3A_71 : vector<16xi32>
      %gather3A_73 = tpu.vector_load_idx %arg15[%add3A_72] : memref<15xf32, #tpu.memory_space<vmem>>[vector<16xi32>], vector<16xf32>,
      %add3A_74 = arith.constant 4 : i32
      %add3A_75 = vector.broadcast %add3A_74 : i32 to vector<16xi32>
      %add3A_76 = arith.addi %rem3A_36, %add3A_75 : vector<16xi32>
      %gather3A_77 = tpu.vector_load_idx %arg18[%add3A_76] : memref<12xf32, #tpu.memory_space<vmem>>[vector<16xi32>], vector<16xf32>,
      %mul3A_78 = arith.mulf %gather3A_73, %gather3A_77 : vector<16xf32>
      %add3A_79 = arith.addf %add3A_53, %mul3A_78 : vector<16xf32>
      %mul3A_80 = arith.constant 3 : i32
      %mul3A_81 = vector.broadcast %mul3A_80 : i32 to vector<16xi32>
      %mul3A_82 = arith.muli %div3A_38, %mul3A_81 : vector<16xi32>
      %add3A_83 = arith.constant 2 : i32
      %add3A_84 = vector.broadcast %add3A_83 : i32 to vector<16xi32>
      %add3A_85 = arith.addi %mul3A_82, %add3A_84 : vector<16xi32>
      %gather3A_86 = tpu.vector_load_idx %arg14[%add3A_85] : memref<24xf32, #tpu.memory_space<vmem>>[vector<16xi32>], vector<16xf32>,
      %add3A_87 = arith.constant 8 : i32
      %add3A_88 = vector.broadcast %add3A_87 : i32 to vector<16xi32>
      %add3A_89 = arith.addi %rem3A_36, %add3A_88 : vector<16xi32>
      %gather3A_90 = tpu.vector_load_idx %arg16[%add3A_89] : memref<12xf32, #tpu.memory_space<vmem>>[vector<16xi32>], vector<16xf32>,
      %mul3A_91 = arith.mulf %gather3A_86, %gather3A_90 : vector<16xf32>
      %add3A_92 = arith.addf %add3A_66, %mul3A_91 : vector<16xf32>
      %mul3A_93 = arith.constant 3 : i32
      %mul3A_94 = vector.broadcast %mul3A_93 : i32 to vector<16xi32>
      %mul3A_95 = arith.muli %min3A, %mul3A_94 : vector<16xi32>
      %add3A_96 = arith.constant 2 : i32
      %add3A_97 = vector.broadcast %add3A_96 : i32 to vector<16xi32>
      %add3A_98 = arith.addi %mul3A_95, %add3A_97 : vector<16xi32>
      %gather3A_99 = tpu.vector_load_idx %arg15[%add3A_98] : memref<15xf32, #tpu.memory_space<vmem>>[vector<16xi32>], vector<16xf32>,
      %add3A_100 = arith.constant 8 : i32
      %add3A_101 = vector.broadcast %add3A_100 : i32 to vector<16xi32>
      %add3A_102 = arith.addi %rem3A_36, %add3A_101 : vector<16xi32>
      %gather3A_103 = tpu.vector_load_idx %arg18[%add3A_102] : memref<12xf32, #tpu.memory_space<vmem>>[vector<16xi32>], vector<16xf32>,
      %mul3A_104 = arith.mulf %gather3A_99, %gather3A_103 : vector<16xf32>
      %add3A_105 = arith.addf %add3A_79, %mul3A_104 : vector<16xf32>
      %swap3A = arith.constant 0 : index
      %swap3A_106 = tpu.vector_load %arg24[%swap3A] {strides = array<i32>} : memref<64xf32, #tpu.memory_space<vmem>>, vector<16xf32>,
      tpu.vector_store %arg24[%swap3A], %add3A_92 {strides = array<i32>} : memref<64xf32, #tpu.memory_space<vmem>>, vector<16xf32>,
      %swap3A_107 = arith.constant 32 : index
      %swap3A_108 = tpu.vector_load %arg24[%swap3A_107] {strides = array<i32>} : memref<64xf32, #tpu.memory_space<vmem>>, vector<16xf32>,
      tpu.vector_store %arg24[%swap3A_107], %add3A_105 {strides = array<i32>} : memref<64xf32, #tpu.memory_space<vmem>>, vector<16xf32>,
      %add3A_109 = arith.constant 16 : i32
      %add3A_110 = vector.broadcast %add3A_109 : i32 to vector<16xi32>
      %add3A_111 = arith.addi %iota3A, %add3A_110 : vector<16xi32>
      %div3A_112 = arith.constant 4 : i32
      %div3A_113 = vector.broadcast %div3A_112 : i32 to vector<16xi32>
      %div3A_114 = arith.divsi %add3A_111, %div3A_113 : vector<16xi32>
      %broadcast_in_dim3A_115 = arith.constant 4 : i32
      %broadcast_in_dim3A_116 = vector.broadcast %broadcast_in_dim3A_115 : i32 to vector<16xi32>
      %min3A_117 = arith.minsi %div3A_114, %broadcast_in_dim3A_116 : vector<16xi32>
      %gather3A_118 = tpu.vector_load_idx %arg17[%rem3A_36] : memref<4xf32, #tpu.memory_space<vmem>>[vector<16xi32>], vector<16xf32>,
      %gather3A_119 = tpu.vector_load_idx %arg19[%rem3A_36] : memref<4xf32, #tpu.memory_space<vmem>>[vector<16xi32>], vector<16xf32>,
      %mul3A_120 = arith.constant 3 : i32
      %mul3A_121 = vector.broadcast %mul3A_120 : i32 to vector<16xi32>
      %mul3A_122 = arith.muli %div3A_114, %mul3A_121 : vector<16xi32>
      %gather3A_123 = tpu.vector_load_idx %arg14[%mul3A_122] : memref<24xf32, #tpu.memory_space<vmem>>[vector<16xi32>], vector<16xf32>,
      %gather3A_124 = tpu.vector_load_idx %arg16[%rem3A_36] : memref<12xf32, #tpu.memory_space<vmem>>[vector<16xi32>], vector<16xf32>,
      %mul3A_125 = arith.mulf %gather3A_123, %gather3A_124 : vector<16xf32>
      %add3A_126 = arith.addf %gather3A_118, %mul3A_125 : vector<16xf32>
      %mul3A_127 = arith.constant 3 : i32
      %mul3A_128 = vector.broadcast %mul3A_127 : i32 to vector<16xi32>
      %mul3A_129 = arith.muli %min3A_117, %mul3A_128 : vector<16xi32>
      %gather3A_130 = tpu.vector_load_idx %arg15[%mul3A_129] : memref<15xf32, #tpu.memory_space<vmem>>[vector<16xi32>], vector<16xf32>,
      %gather3A_131 = tpu.vector_load_idx %arg18[%rem3A_36] : memref<12xf32, #tpu.memory_space<vmem>>[vector<16xi32>], vector<16xf32>,
      %mul3A_132 = arith.mulf %gather3A_130, %gather3A_131 : vector<16xf32>
      %add3A_133 = arith.addf %gather3A_119, %mul3A_132 : vector<16xf32>
      %mul3A_134 = arith.constant 3 : i32
      %mul3A_135 = vector.broadcast %mul3A_134 : i32 to vector<16xi32>
      %mul3A_136 = arith.muli %div3A_114, %mul3A_135 : vector<16xi32>
      %add3A_137 = arith.constant 1 : i32
      %add3A_138 = vector.broadcast %add3A_137 : i32 to vector<16xi32>
      %add3A_139 = arith.addi %mul3A_136, %add3A_138 : vector<16xi32>
      %gather3A_140 = tpu.vector_load_idx %arg14[%add3A_139] : memref<24xf32, #tpu.memory_space<vmem>>[vector<16xi32>], vector<16xf32>,
      %add3A_141 = arith.constant 4 : i32
      %add3A_142 = vector.broadcast %add3A_141 : i32 to vector<16xi32>
      %add3A_143 = arith.addi %rem3A_36, %add3A_142 : vector<16xi32>
      %gather3A_144 = tpu.vector_load_idx %arg16[%add3A_143] : memref<12xf32, #tpu.memory_space<vmem>>[vector<16xi32>], vector<16xf32>,
      %mul3A_145 = arith.mulf %gather3A_140, %gather3A_144 : vector<16xf32>
      %add3A_146 = arith.addf %add3A_126, %mul3A_145 : vector<16xf32>
      %mul3A_147 = arith.constant 3 : i32
      %mul3A_148 = vector.broadcast %mul3A_147 : i32 to vector<16xi32>
      %mul3A_149 = arith.muli %min3A_117, %mul3A_148 : vector<16xi32>
      %add3A_150 = arith.constant 1 : i32
      %add3A_151 = vector.broadcast %add3A_150 : i32 to vector<16xi32>
      %add3A_152 = arith.addi %mul3A_149, %add3A_151 : vector<16xi32>
      %gather3A_153 = tpu.vector_load_idx %arg15[%add3A_152] : memref<15xf32, #tpu.memory_space<vmem>>[vector<16xi32>], vector<16xf32>,
      %add3A_154 = arith.constant 4 : i32
      %add3A_155 = vector.broadcast %add3A_154 : i32 to vector<16xi32>
      %add3A_156 = arith.addi %rem3A_36, %add3A_155 : vector<16xi32>
      %gather3A_157 = tpu.vector_load_idx %arg18[%add3A_156] : memref<12xf32, #tpu.memory_space<vmem>>[vector<16xi32>], vector<16xf32>,
      %mul3A_158 = arith.mulf %gather3A_153, %gather3A_157 : vector<16xf32>
      %add3A_159 = arith.addf %add3A_133, %mul3A_158 : vector<16xf32>
      %mul3A_160 = arith.constant 3 : i32
      %mul3A_161 = vector.broadcast %mul3A_160 : i32 to vector<16xi32>
      %mul3A_162 = arith.muli %div3A_114, %mul3A_161 : vector<16xi32>
      %add3A_163 = arith.constant 2 : i32
      %add3A_164 = vector.broadcast %add3A_163 : i32 to vector<16xi32>
      %add3A_165 = arith.addi %mul3A_162, %add3A_164 : vector<16xi32>
      %gather3A_166 = tpu.vector_load_idx %arg14[%add3A_165] : memref<24xf32, #tpu.memory_space<vmem>>[vector<16xi32>], vector<16xf32>,
      %add3A_167 = arith.constant 8 : i32
      %add3A_168 = vector.broadcast %add3A_167 : i32 to vector<16xi32>
      %add3A_169 = arith.addi %rem3A_36, %add3A_168 : vector<16xi32>
      %gather3A_170 = tpu.vector_load_idx %arg16[%add3A_169] : memref<12xf32, #tpu.memory_space<vmem>>[vector<16xi32>], vector<16xf32>,
      %mul3A_171 = arith.mulf %gather3A_166, %gather3A_170 : vector<16xf32>
      %add3A_172 = arith.addf %add3A_146, %mul3A_171 : vector<16xf32>
      %mul3A_173 = arith.constant 3 : i32
      %mul3A_174 = vector.broadcast %mul3A_173 : i32 to vector<16xi32>
      %mul3A_175 = arith.muli %min3A_117, %mul3A_174 : vector<16xi32>
      %add3A_176 = arith.constant 2 : i32
      %add3A_177 = vector.broadcast %add3A_176 : i32 to vector<16xi32>
      %add3A_178 = arith.addi %mul3A_175, %add3A_177 : vector<16xi32>
      %gather3A_179 = tpu.vector_load_idx %arg15[%add3A_178] : memref<15xf32, #tpu.memory_space<vmem>>[vector<16xi32>], vector<16xf32>,
      %add3A_180 = arith.constant 8 : i32
      %add3A_181 = vector.broadcast %add3A_180 : i32 to vector<16xi32>
      %add3A_182 = arith.addi %rem3A_36, %add3A_181 : vector<16xi32>
      %gather3A_183 = tpu.vector_load_idx %arg18[%add3A_182] : memref<12xf32, #tpu.memory_space<vmem>>[vector<16xi32>], vector<16xf32>,
      %mul3A_184 = arith.mulf %gather3A_179, %gather3A_183 : vector<16xf32>
      %add3A_185 = arith.addf %add3A_159, %mul3A_184 : vector<16xf32>
      %swap3A_186 = arith.constant 16 : index
      %swap3A_187 = tpu.vector_load %arg24[%swap3A_186] {strides = array<i32>} : memref<64xf32, #tpu.memory_space<vmem>>, vector<16xf32>,
      tpu.vector_store %arg24[%swap3A_186], %add3A_172 {strides = array<i32>} : memref<64xf32, #tpu.memory_space<vmem>>, vector<16xf32>,
      %swap3A_188 = arith.constant 48 : index
      %swap3A_189 = tpu.vector_load %arg24[%swap3A_188] {strides = array<i32>} : memref<64xf32, #tpu.memory_space<vmem>>, vector<16xf32>,
      tpu.vector_store %arg24[%swap3A_188], %add3A_185 {strides = array<i32>} : memref<64xf32, #tpu.memory_space<vmem>>, vector<16xf32>,
      %get3A = arith.constant 0 : index
      %get3A_190 = tpu.vector_load %arg21[%get3A] {strides = array<i32>} : memref<16xf32, #tpu.memory_space<vmem>>, vector<16xf32>,
      %get3A_191 = arith.constant 0 : index
      %get3A_192 = tpu.vector_load %arg22[%get3A_191] {strides = array<i32>} : memref<16xi32, #tpu.memory_space<vmem>>, vector<16xi32>,
      %get3A_193 = arith.constant 0 : index
      %get3A_194 = tpu.vector_load %arg23[%get3A_193] {strides = array<i32>} : memref<16xi32, #tpu.memory_space<vmem>>, vector<16xi32>,
      %mul3A_195 = arith.constant 16 : i32
      %mul3A_196 = vector.broadcast %mul3A_195 : i32 to vector<16xi32>
      %mul3A_197 = arith.muli %iota3A, %mul3A_196 : vector<16xi32>
      %broadcast_in_dim3A_198 = arith.constant 8 : i32
      %broadcast_in_dim3A_199 = vector.broadcast %broadcast_in_dim3A_198 : i32 to vector<16xi32>
      %gather3A_200 = tpu.vector_load_idx %arg20[%broadcast_in_dim3A_199] : memref<24xf32, #tpu.memory_space<vmem>>[vector<16xi32>], vector<16xf32>,
      %mul3A_201 = arith.mulf %get3A_190, %gather3A_200 : vector<16xf32>
      %broadcast_in_dim3A_202 = arith.constant 16 : i32
      %broadcast_in_dim3A_203 = vector.broadcast %broadcast_in_dim3A_202 : i32 to vector<16xi32>
      %gather3A_204 = tpu.vector_load_idx %arg20[%broadcast_in_dim3A_203] : memref<24xf32, #tpu.memory_space<vmem>>[vector<16xi32>], vector<16xf32>,
      %add3A_205 = arith.addf %mul3A_201, %gather3A_204 : vector<16xf32>
      tpu.vector_store_idx %arg25[%mul3A_197], %add3A_205 : memref<256xf32, #tpu.memory_space<vmem>>[vector<16xi32>], vector<16xf32>,
      %broadcast_in_dim3A_206 = arith.constant 9 : i32
      %broadcast_in_dim3A_207 = vector.broadcast %broadcast_in_dim3A_206 : i32 to vector<16xi32>
      %gather3A_208 = tpu.vector_load_idx %arg20[%broadcast_in_dim3A_207] : memref<24xf32, #tpu.memory_space<vmem>>[vector<16xi32>], vector<16xf32>,
      %mul3A_209 = arith.mulf %get3A_190, %gather3A_208 : vector<16xf32>
      %broadcast_in_dim3A_210 = arith.constant 17 : i32
      %broadcast_in_dim3A_211 = vector.broadcast %broadcast_in_dim3A_210 : i32 to vector<16xi32>
      %gather3A_212 = tpu.vector_load_idx %arg20[%broadcast_in_dim3A_211] : memref<24xf32, #tpu.memory_space<vmem>>[vector<16xi32>], vector<16xf32>,
      %add3A_213 = arith.addf %mul3A_209, %gather3A_212 : vector<16xf32>
      %add3A_214 = arith.constant 1 : i32
      %add3A_215 = vector.broadcast %add3A_214 : i32 to vector<16xi32>
      %add3A_216 = arith.addi %mul3A_197, %add3A_215 : vector<16xi32>
      tpu.vector_store_idx %arg25[%add3A_216], %add3A_213 : memref<256xf32, #tpu.memory_space<vmem>>[vector<16xi32>], vector<16xf32>,
      %broadcast_in_dim3A_217 = arith.constant 10 : i32
      %broadcast_in_dim3A_218 = vector.broadcast %broadcast_in_dim3A_217 : i32 to vector<16xi32>
      %gather3A_219 = tpu.vector_load_idx %arg20[%broadcast_in_dim3A_218] : memref<24xf32, #tpu.memory_space<vmem>>[vector<16xi32>], vector<16xf32>,
      %mul3A_220 = arith.mulf %get3A_190, %gather3A_219 : vector<16xf32>
      %broadcast_in_dim3A_221 = arith.constant 18 : i32
      %broadcast_in_dim3A_222 = vector.broadcast %broadcast_in_dim3A_221 : i32 to vector<16xi32>
      %gather3A_223 = tpu.vector_load_idx %arg20[%broadcast_in_dim3A_222] : memref<24xf32, #tpu.memory_space<vmem>>[vector<16xi32>], vector<16xf32>,
      %add3A_224 = arith.addf %mul3A_220, %gather3A_223 : vector<16xf32>
      %add3A_225 = arith.constant 2 : i32
      %add3A_226 = vector.broadcast %add3A_225 : i32 to vector<16xi32>
      %add3A_227 = arith.addi %mul3A_197, %add3A_226 : vector<16xi32>
      tpu.vector_store_idx %arg25[%add3A_227], %add3A_224 : memref<256xf32, #tpu.memory_space<vmem>>[vector<16xi32>], vector<16xf32>,
      %broadcast_in_dim3A_228 = arith.constant 11 : i32
      %broadcast_in_dim3A_229 = vector.broadcast %broadcast_in_dim3A_228 : i32 to vector<16xi32>
      %gather3A_230 = tpu.vector_load_idx %arg20[%broadcast_in_dim3A_229] : memref<24xf32, #tpu.memory_space<vmem>>[vector<16xi32>], vector<16xf32>,
      %mul3A_231 = arith.mulf %get3A_190, %gather3A_230 : vector<16xf32>
      %broadcast_in_dim3A_232 = arith.constant 19 : i32
      %broadcast_in_dim3A_233 = vector.broadcast %broadcast_in_dim3A_232 : i32 to vector<16xi32>
      %gather3A_234 = tpu.vector_load_idx %arg20[%broadcast_in_dim3A_233] : memref<24xf32, #tpu.memory_space<vmem>>[vector<16xi32>], vector<16xf32>,
      %add3A_235 = arith.addf %mul3A_231, %gather3A_234 : vector<16xf32>
      %add3A_236 = arith.constant 3 : i32
      %add3A_237 = vector.broadcast %add3A_236 : i32 to vector<16xi32>
      %add3A_238 = arith.addi %mul3A_197, %add3A_237 : vector<16xi32>
      tpu.vector_store_idx %arg25[%add3A_238], %add3A_235 : memref<256xf32, #tpu.memory_space<vmem>>[vector<16xi32>], vector<16xf32>,
      %broadcast_in_dim3A_239 = arith.constant 12 : i32
      %broadcast_in_dim3A_240 = vector.broadcast %broadcast_in_dim3A_239 : i32 to vector<16xi32>
      %gather3A_241 = tpu.vector_load_idx %arg20[%broadcast_in_dim3A_240] : memref<24xf32, #tpu.memory_space<vmem>>[vector<16xi32>], vector<16xf32>,
      %mul3A_242 = arith.mulf %get3A_190, %gather3A_241 : vector<16xf32>
      %broadcast_in_dim3A_243 = arith.constant 20 : i32
      %broadcast_in_dim3A_244 = vector.broadcast %broadcast_in_dim3A_243 : i32 to vector<16xi32>
      %gather3A_245 = tpu.vector_load_idx %arg20[%broadcast_in_dim3A_244] : memref<24xf32, #tpu.memory_space<vmem>>[vector<16xi32>], vector<16xf32>,
      %add3A_246 = arith.addf %mul3A_242, %gather3A_245 : vector<16xf32>
      %add3A_247 = arith.constant 4 : i32
      %add3A_248 = vector.broadcast %add3A_247 : i32 to vector<16xi32>
      %add3A_249 = arith.addi %mul3A_197, %add3A_248 : vector<16xi32>
      tpu.vector_store_idx %arg25[%add3A_249], %add3A_246 : memref<256xf32, #tpu.memory_space<vmem>>[vector<16xi32>], vector<16xf32>,
      %broadcast_in_dim3A_250 = arith.constant 13 : i32
      %broadcast_in_dim3A_251 = vector.broadcast %broadcast_in_dim3A_250 : i32 to vector<16xi32>
      %gather3A_252 = tpu.vector_load_idx %arg20[%broadcast_in_dim3A_251] : memref<24xf32, #tpu.memory_space<vmem>>[vector<16xi32>], vector<16xf32>,
      %mul3A_253 = arith.mulf %get3A_190, %gather3A_252 : vector<16xf32>
      %broadcast_in_dim3A_254 = arith.constant 21 : i32
      %broadcast_in_dim3A_255 = vector.broadcast %broadcast_in_dim3A_254 : i32 to vector<16xi32>
      %gather3A_256 = tpu.vector_load_idx %arg20[%broadcast_in_dim3A_255] : memref<24xf32, #tpu.memory_space<vmem>>[vector<16xi32>], vector<16xf32>,
      %add3A_257 = arith.addf %mul3A_253, %gather3A_256 : vector<16xf32>
      %add3A_258 = arith.constant 5 : i32
      %add3A_259 = vector.broadcast %add3A_258 : i32 to vector<16xi32>
      %add3A_260 = arith.addi %mul3A_197, %add3A_259 : vector<16xi32>
      tpu.vector_store_idx %arg25[%add3A_260], %add3A_257 : memref<256xf32, #tpu.memory_space<vmem>>[vector<16xi32>], vector<16xf32>,
      %broadcast_in_dim3A_261 = arith.constant 14 : i32
      %broadcast_in_dim3A_262 = vector.broadcast %broadcast_in_dim3A_261 : i32 to vector<16xi32>
      %gather3A_263 = tpu.vector_load_idx %arg20[%broadcast_in_dim3A_262] : memref<24xf32, #tpu.memory_space<vmem>>[vector<16xi32>], vector<16xf32>,
      %mul3A_264 = arith.mulf %get3A_190, %gather3A_263 : vector<16xf32>
      %broadcast_in_dim3A_265 = arith.constant 22 : i32
      %broadcast_in_dim3A_266 = vector.broadcast %broadcast_in_dim3A_265 : i32 to vector<16xi32>
      %gather3A_267 = tpu.vector_load_idx %arg20[%broadcast_in_dim3A_266] : memref<24xf32, #tpu.memory_space<vmem>>[vector<16xi32>], vector<16xf32>,
      %add3A_268 = arith.addf %mul3A_264, %gather3A_267 : vector<16xf32>
      %add3A_269 = arith.constant 6 : i32
      %add3A_270 = vector.broadcast %add3A_269 : i32 to vector<16xi32>
      %add3A_271 = arith.addi %mul3A_197, %add3A_270 : vector<16xi32>
      tpu.vector_store_idx %arg25[%add3A_271], %add3A_268 : memref<256xf32, #tpu.memory_space<vmem>>[vector<16xi32>], vector<16xf32>,
      %broadcast_in_dim3A_272 = arith.constant 15 : i32
      %broadcast_in_dim3A_273 = vector.broadcast %broadcast_in_dim3A_272 : i32 to vector<16xi32>
      %gather3A_274 = tpu.vector_load_idx %arg20[%broadcast_in_dim3A_273] : memref<24xf32, #tpu.memory_space<vmem>>[vector<16xi32>], vector<16xf32>,
      %mul3A_275 = arith.mulf %get3A_190, %gather3A_274 : vector<16xf32>
      %broadcast_in_dim3A_276 = arith.constant 23 : i32
      %broadcast_in_dim3A_277 = vector.broadcast %broadcast_in_dim3A_276 : i32 to vector<16xi32>
      %gather3A_278 = tpu.vector_load_idx %arg20[%broadcast_in_dim3A_277] : memref<24xf32, #tpu.memory_space<vmem>>[vector<16xi32>], vector<16xf32>,
      %add3A_279 = arith.addf %mul3A_275, %gather3A_278 : vector<16xf32>
      %add3A_280 = arith.constant 7 : i32
      %add3A_281 = vector.broadcast %add3A_280 : i32 to vector<16xi32>
      %add3A_282 = arith.addi %mul3A_197, %add3A_281 : vector<16xi32>
      tpu.vector_store_idx %arg25[%add3A_282], %add3A_279 : memref<256xf32, #tpu.memory_space<vmem>>[vector<16xi32>], vector<16xf32>,
      %add3A_283 = arith.constant 8 : i32
      %add3A_284 = vector.broadcast %add3A_283 : i32 to vector<16xi32>
      %add3A_285 = arith.addi %mul3A_197, %add3A_284 : vector<16xi32>
      %mul3A_286 = arith.constant 4 : i32
      %mul3A_287 = vector.broadcast %mul3A_286 : i32 to vector<16xi32>
      %mul3A_288 = arith.muli %get3A_194, %mul3A_287 : vector<16xi32>
      %add3A_289 = arith.constant 32 : i32
      %add3A_290 = vector.broadcast %add3A_289 : i32 to vector<16xi32>
      %add3A_291 = arith.addi %mul3A_288, %add3A_290 : vector<16xi32>
      %gather3A_292 = tpu.vector_load_idx %arg24[%add3A_291] : memref<64xf32, #tpu.memory_space<vmem>>[vector<16xi32>], vector<16xf32>,
      tpu.vector_store_idx %arg25[%add3A_285], %gather3A_292 : memref<256xf32, #tpu.memory_space<vmem>>[vector<16xi32>], vector<16xf32>,
      %add3A_293 = arith.constant 12 : i32
      %add3A_294 = vector.broadcast %add3A_293 : i32 to vector<16xi32>
      %add3A_295 = arith.addi %mul3A_197, %add3A_294 : vector<16xi32>
      %mul3A_296 = arith.constant 4 : i32
      %mul3A_297 = vector.broadcast %mul3A_296 : i32 to vector<16xi32>
      %mul3A_298 = arith.muli %get3A_192, %mul3A_297 : vector<16xi32>
      %gather3A_299 = tpu.vector_load_idx %arg24[%mul3A_298] : memref<64xf32, #tpu.memory_space<vmem>>[vector<16xi32>], vector<16xf32>,
      tpu.vector_store_idx %arg25[%add3A_295], %gather3A_299 : memref<256xf32, #tpu.memory_space<vmem>>[vector<16xi32>], vector<16xf32>,
      %add3A_300 = arith.constant 9 : i32
      %add3A_301 = vector.broadcast %add3A_300 : i32 to vector<16xi32>
      %add3A_302 = arith.addi %mul3A_197, %add3A_301 : vector<16xi32>
      %mul3A_303 = arith.constant 4 : i32
      %mul3A_304 = vector.broadcast %mul3A_303 : i32 to vector<16xi32>
      %mul3A_305 = arith.muli %get3A_194, %mul3A_304 : vector<16xi32>
      %add3A_306 = arith.constant 33 : i32
      %add3A_307 = vector.broadcast %add3A_306 : i32 to vector<16xi32>
      %add3A_308 = arith.addi %mul3A_305, %add3A_307 : vector<16xi32>
      %gather3A_309 = tpu.vector_load_idx %arg24[%add3A_308] : memref<64xf32, #tpu.memory_space<vmem>>[vector<16xi32>], vector<16xf32>,
      tpu.vector_store_idx %arg25[%add3A_302], %gather3A_309 : memref<256xf32, #tpu.memory_space<vmem>>[vector<16xi32>], vector<16xf32>,
      %add3A_310 = arith.constant 13 : i32
      %add3A_311 = vector.broadcast %add3A_310 : i32 to vector<16xi32>
      %add3A_312 = arith.addi %mul3A_197, %add3A_311 : vector<16xi32>
      %mul3A_313 = arith.constant 4 : i32
      %mul3A_314 = vector.broadcast %mul3A_313 : i32 to vector<16xi32>
      %mul3A_315 = arith.muli %get3A_192, %mul3A_314 : vector<16xi32>
      %add3A_316 = arith.constant 1 : i32
      %add3A_317 = vector.broadcast %add3A_316 : i32 to vector<16xi32>
      %add3A_318 = arith.addi %mul3A_315, %add3A_317 : vector<16xi32>
      %gather3A_319 = tpu.vector_load_idx %arg24[%add3A_318] : memref<64xf32, #tpu.memory_space<vmem>>[vector<16xi32>], vector<16xf32>,
      tpu.vector_store_idx %arg25[%add3A_312], %gather3A_319 : memref<256xf32, #tpu.memory_space<vmem>>[vector<16xi32>], vector<16xf32>,
      %add3A_320 = arith.constant 10 : i32
      %add3A_321 = vector.broadcast %add3A_320 : i32 to vector<16xi32>
      %add3A_322 = arith.addi %mul3A_197, %add3A_321 : vector<16xi32>
      %mul3A_323 = arith.constant 4 : i32
      %mul3A_324 = vector.broadcast %mul3A_323 : i32 to vector<16xi32>
      %mul3A_325 = arith.muli %get3A_194, %mul3A_324 : vector<16xi32>
      %add3A_326 = arith.constant 34 : i32
      %add3A_327 = vector.broadcast %add3A_326 : i32 to vector<16xi32>
      %add3A_328 = arith.addi %mul3A_325, %add3A_327 : vector<16xi32>
      %gather3A_329 = tpu.vector_load_idx %arg24[%add3A_328] : memref<64xf32, #tpu.memory_space<vmem>>[vector<16xi32>], vector<16xf32>,
      tpu.vector_store_idx %arg25[%add3A_322], %gather3A_329 : memref<256xf32, #tpu.memory_space<vmem>>[vector<16xi32>], vector<16xf32>,
      %add3A_330 = arith.constant 14 : i32
      %add3A_331 = vector.broadcast %add3A_330 : i32 to vector<16xi32>
      %add3A_332 = arith.addi %mul3A_197, %add3A_331 : vector<16xi32>
      %mul3A_333 = arith.constant 4 : i32
      %mul3A_334 = vector.broadcast %mul3A_333 : i32 to vector<16xi32>
      %mul3A_335 = arith.muli %get3A_192, %mul3A_334 : vector<16xi32>
      %add3A_336 = arith.constant 2 : i32
      %add3A_337 = vector.broadcast %add3A_336 : i32 to vector<16xi32>
      %add3A_338 = arith.addi %mul3A_335, %add3A_337 : vector<16xi32>
      %gather3A_339 = tpu.vector_load_idx %arg24[%add3A_338] : memref<64xf32, #tpu.memory_space<vmem>>[vector<16xi32>], vector<16xf32>,
      tpu.vector_store_idx %arg25[%add3A_332], %gather3A_339 : memref<256xf32, #tpu.memory_space<vmem>>[vector<16xi32>], vector<16xf32>,
      %add3A_340 = arith.constant 11 : i32
      %add3A_341 = vector.broadcast %add3A_340 : i32 to vector<16xi32>
      %add3A_342 = arith.addi %mul3A_197, %add3A_341 : vector<16xi32>
      %mul3A_343 = arith.constant 4 : i32
      %mul3A_344 = vector.broadcast %mul3A_343 : i32 to vector<16xi32>
      %mul3A_345 = arith.muli %get3A_194, %mul3A_344 : vector<16xi32>
      %add3A_346 = arith.constant 35 : i32
      %add3A_347 = vector.broadcast %add3A_346 : i32 to vector<16xi32>
      %add3A_348 = arith.addi %mul3A_345, %add3A_347 : vector<16xi32>
      %gather3A_349 = tpu.vector_load_idx %arg24[%add3A_348] : memref<64xf32, #tpu.memory_space<vmem>>[vector<16xi32>], vector<16xf32>,
      tpu.vector_store_idx %arg25[%add3A_342], %gather3A_349 : memref<256xf32, #tpu.memory_space<vmem>>[vector<16xi32>], vector<16xf32>,
      %add3A_350 = arith.constant 15 : i32
      %add3A_351 = vector.broadcast %add3A_350 : i32 to vector<16xi32>
      %add3A_352 = arith.addi %mul3A_197, %add3A_351 : vector<16xi32>
      %mul3A_353 = arith.constant 4 : i32
      %mul3A_354 = vector.broadcast %mul3A_353 : i32 to vector<16xi32>
      %mul3A_355 = arith.muli %get3A_192, %mul3A_354 : vector<16xi32>
      %add3A_356 = arith.constant 3 : i32
      %add3A_357 = vector.broadcast %add3A_356 : i32 to vector<16xi32>
      %add3A_358 = arith.addi %mul3A_355, %add3A_357 : vector<16xi32>
      %gather3A_359 = tpu.vector_load_idx %arg24[%add3A_358] : memref<64xf32, #tpu.memory_space<vmem>>[vector<16xi32>], vector<16xf32>,
      tpu.vector_store_idx %arg25[%add3A_352], %gather3A_359 : memref<256xf32, #tpu.memory_space<vmem>>[vector<16xi32>], vector<16xf32>,
      %lt3A = arith.constant 6 : i32
      %lt3A_360 = arith.cmpi slt, %arg1, %lt3A : i32
      %convert_element_type3A_361 = arith.extui %lt3A_360 : i1 to i32
      %cond3A_362 = arith.constant 0 : i32
      %cond3A_363 = arith.cmpi ne, %convert_element_type3A_361, %cond3A_362 : i32
      scf.if %cond3A_363 {
        %mul3A_368 = arith.constant 16 : i32
        %mul3A_369 = arith.muli %arg1, %mul3A_368 : i32
        %mul3A_370 = arith.constant 16 : i32
        %mul3A_371 = arith.muli %mul3A_369, %mul3A_370 : i32
        %multiple_of3A_372 = tpu.assume_multiple %mul3A_371, 256 : i32
        "tpu.region"() ({
          %run_scoped3A = tpu.sem_alloc : memref<!tpu.dma_semaphore, #tpu.memory_space<semaphore_mem>>
          %dma_start3A_373 = tpu.memref_slice %arg13[%multiple_of3A_372] : memref<1552xf32, #tpu.memory_space<hbm>> -> memref<256xf32, #tpu.memory_space<hbm>>
          %dma_start3A_374 = tpu.memref_slice %arg13[%multiple_of3A_372] : memref<1552xf32, #tpu.memory_space<hbm>> -> memref<256xf32, #tpu.memory_space<hbm>>
          tpu.enqueue_dma source(%arg25 : memref<256xf32, #tpu.memory_space<vmem>>) target(%dma_start3A_374 : memref<256xf32, #tpu.memory_space<hbm>>) target_semaphore(%run_scoped3A : memref<!tpu.dma_semaphore, #tpu.memory_space<semaphore_mem>>)
          %dma_wait3A_375 = tpu.memref_slice %arg13[%multiple_of3A_372] : memref<1552xf32, #tpu.memory_space<hbm>> -> memref<256xf32, #tpu.memory_space<hbm>>
          %dma_wait3A_376 = tpu.memref_slice %arg13[%multiple_of3A_372] : memref<1552xf32, #tpu.memory_space<hbm>> -> memref<256xf32, #tpu.memory_space<hbm>>
          tpu.wait_dma2 semaphore(%run_scoped3A : memref<!tpu.dma_semaphore, #tpu.memory_space<semaphore_mem>>) src(%arg25 : memref<256xf32, #tpu.memory_space<vmem>>) dst(%dma_wait3A_376 : memref<256xf32, #tpu.memory_space<hbm>>)
          tpu.yield
        }) : () -> ()
      } else {
      }
      %eq3A = arith.constant 6 : i32
      %eq3A_364 = arith.cmpi eq, %arg1, %eq3A : i32
      %convert_element_type3A_365 = arith.extui %eq3A_364 : i1 to i32
      %cond3A_366 = arith.constant 0 : i32
      %cond3A_367 = arith.cmpi ne, %convert_element_type3A_365, %cond3A_366 : i32
      scf.if %cond3A_367 {
        "tpu.region"() ({
          %run_scoped3A = tpu.sem_alloc : memref<!tpu.dma_semaphore, #tpu.memory_space<semaphore_mem>>
          %dma_start3A_368 = arith.constant 0 : i32
          %dma_start3A_369 = tpu.memref_slice %arg25[%dma_start3A_368] : memref<256xf32, #tpu.memory_space<vmem>> -> memref<16xf32, #tpu.memory_space<vmem>>
          %dma_start3A_370 = arith.constant 1536 : i32
          %dma_start3A_371 = tpu.memref_slice %arg13[%dma_start3A_370] : memref<1552xf32, #tpu.memory_space<hbm>> -> memref<16xf32, #tpu.memory_space<hbm>>
          %dma_start3A_372 = arith.constant 1536 : i32
          %dma_start3A_373 = tpu.memref_slice %arg13[%dma_start3A_372] : memref<1552xf32, #tpu.memory_space<hbm>> -> memref<16xf32, #tpu.memory_space<hbm>>
          %dma_start3A_374 = arith.constant 0 : i32
          %dma_start3A_375 = tpu.memref_slice %arg25[%dma_start3A_374] : memref<256xf32, #tpu.memory_space<vmem>> -> memref<16xf32, #tpu.memory_space<vmem>>
          tpu.enqueue_dma source(%dma_start3A_375 : memref<16xf32, #tpu.memory_space<vmem>>) target(%dma_start3A_373 : memref<16xf32, #tpu.memory_space<hbm>>) target_semaphore(%run_scoped3A : memref<!tpu.dma_semaphore, #tpu.memory_space<semaphore_mem>>)
          %dma_wait3A_376 = arith.constant 0 : i32
          %dma_wait3A_377 = tpu.memref_slice %arg25[%dma_wait3A_376] : memref<256xf32, #tpu.memory_space<vmem>> -> memref<16xf32, #tpu.memory_space<vmem>>
          %dma_wait3A_378 = arith.constant 1536 : i32
          %dma_wait3A_379 = tpu.memref_slice %arg13[%dma_wait3A_378] : memref<1552xf32, #tpu.memory_space<hbm>> -> memref<16xf32, #tpu.memory_space<hbm>>
          %dma_wait3A_380 = arith.constant 1536 : i32
          %dma_wait3A_381 = tpu.memref_slice %arg13[%dma_wait3A_380] : memref<1552xf32, #tpu.memory_space<hbm>> -> memref<16xf32, #tpu.memory_space<hbm>>
          %dma_wait3A_382 = arith.constant 0 : i32
          %dma_wait3A_383 = tpu.memref_slice %arg25[%dma_wait3A_382] : memref<256xf32, #tpu.memory_space<vmem>> -> memref<16xf32, #tpu.memory_space<vmem>>
          tpu.wait_dma2 semaphore(%run_scoped3A : memref<!tpu.dma_semaphore, #tpu.memory_space<semaphore_mem>>) src(%dma_wait3A_383 : memref<16xf32, #tpu.memory_space<vmem>>) dst(%dma_wait3A_381 : memref<16xf32, #tpu.memory_space<hbm>>)
          tpu.yield
        }) : () -> ()
      } else {
      }
    } else {
    }
    return
  }
}

</mosaic_0001>

<sc_bundles>
// kernel: kernel.3.cloned.1.call-start
scs
__scs_entry_jumppad:
0x0: {  	(pc) =	sbr.rel $0x88, $3  }
0x1: {  	(tag) =	ssettag $0x0;
	lr =	simm.s32 $0x1  }
0x2: {  	[smem:$0x3F96] =	sst lr;
	_ =	strace $0xD0000000  }
0x3: {  	_ = 	snop  }
0x4: {  	_ = 	snop  }
0x5: {  	_ = 	snop  }
0x6: {  	_ = 	snop  }
0x7: {  	_ = 	snop  }
__scs_overlays_trampoline_lowered:
0x8: {  	[smem:$0x3FA5] =	sst s0  }
0x9: {  	[smem:$0x3FA6] =	sst s1  }
0xa: {  	[smem:$0x3FA7] =	sst s2  }
0xb: {  	[smem:$0x3FA8] =	sst s3  }
0xc: {  	[smem:$0x3FA9] =	sst s4  }
0xd: {  	[smem:$0x3FAA] =	sst s5  }
0xe: {  	[smem:$0x3FAB] =	sst s6  }
0xf: {  	[smem:$0x3FAC] =	sst s7  }
0x10: {  	[smem:$0x3FAD] =	sst s8  }
0x11: {  	[smem:$0x3FAE] =	sst s9;
	s0 =	simm.s32 @!p0 $0x0  }
0x12: {  	s1 =	sld [smem:$0x3F94];
	s0 =	simm.s32 @p0 $0x1  }
0x13: {  	[smem:$0x3FAF] =	sst s0;
	s0 =	simm.s32 @!p1 $0x0  }
0x14: {  	s2 =	sld [smem:$0x3F93];
	s0 =	simm.s32 @p1 $0x1  }
0x15: {  	[smem:$0x3FB0] =	sst s0;
	s0 =	simm.s32 @!p2 $0x0  }
0x16: {  	s3 =	sld [smem:$0x3FDB];
	s0 =	simm.s32 @p2 $0x1  }
0x17: {  	s4 =	simm.s32 $0x1BF5;
	[smem:$0x3FB2] =	sst s0  }
0x18: {  	s0 =	sld [smem:$0x3F95];
	_ =	swait.ge [sflag:s4], $0x0  }
0x19: {  	s7 =	sld [smem:$0x3F96]  }
0x1a: {  	s8 =	sadd.s32 $0xFFFFE003, lr  }
0x1b: {  	s9 =	sadd.s32 $0xFFFFFEF7, lr;
	s5 =	simm.s32 $0xFFFFFFFF;
	p2 =	slt.u32 s8, $0xFFFFF086  }
0x1c: {  	p1 =	slt.u32 s9, $0xF7A;
	s5 =	simm.s32 @!p2 $0x0  }
0x1d: {  	s5 =	simm.s32 @p1 $0x1;
	p0 =	seq.s32 s7, s2  }
0x1e: {  	s7 =	smul.u32 @!p0 $0xF7A, s2;
	p2 =	seq.s32 @!p0 s5, $0x0  }
0x1f: {  	s9 =	smul.u32 $0xF7A, s1;
	s8 =	simm.s32 @!p0 $0x1BF5;
	p2 =	por !p2, p0  }
0x20: {  	[sflag:s8] =	ssyncset.s32 @!p0 $0xFFFFF086;
	s6 =	sadd.s32 @!p0 s3, s7;
	s7 =	simm.s32 @!p0 $0x108  }
0x21: {  	s3 =	sadd.s32 s3, s9;
	s6 =	sadd.s32 @!p0 $0x88, s6;
	s7 =	simm.s32 @p2 $0x1082  }
0x22: {  	[simem:s7], [sflag:s8] =	dma.local @!p0 [hbm:s6], $0xF7A  }
0x23: {  	s9 =	sor.u32 $0xD0000000, s2;
	s6 =	simm.s32 $0x108;
	_ =	swait.ge @!p0 [sflag:s8], $0x0  }
0x24: {  	s3 =	sadd.s32 $0x88, s3;
	s6 =	simm.s32 @!p1 $0x1082;
	[sflag:s4] =	ssyncset.s32 $0xFFFFF086  }
0x25: {  	[simem:s6], [sflag:s4] =	dma.local [hbm:s3], $0xF7A  }
0x26: {  	[smem:$0x3F96] =	sst s1;
	(tag) =	ssettag s2;
	_ =	strace s9  }
0x27: {  	s1 =	sld [smem:$0x3FA6]  }
0x28: {  	s2 =	sld [smem:$0x3FA7]  }
0x29: {  	s4 =	sld [smem:$0x3FA9]  }
0x2a: {  	p0 =	seq.s32 s5, $0x0;
	s5 =	sld [smem:$0x3FAA]  }
0x2b: {  	s6 =	sld [smem:$0x3FAB]  }
0x2c: {  	s7 =	sld [smem:$0x3FAC]  }
0x2d: {  	s3 =	simm.s32 $0x108;
	s8 =	sld [smem:$0x3FAD]  }
0x2e: {  	s3 =	simm.s32 @!p0 $0x1082;
	s9 =	sld [smem:$0x3FAE]  }
0x2f: {  	lr =	sadd.s32 s0, s3;
	s0 =	sld [smem:$0x3FA5]  }
0x30: {  	s3 =	sld [smem:$0x3FA8]  }
0x31: {  	[smem:$0x3FB1] =	sst s10  }
0x32: {  	s10 =	sld [smem:$0x3FAF];
	_ =	sdelay $0x3  }
0x33: {  	p0 =	seq.s32 s10, $0x1;
	s10 =	sld [smem:$0x3FB1];
	_ =	sdelay $0x3  }
0x34: {  	[smem:$0x3FB1] =	sst s10  }
0x35: {  	s10 =	sld [smem:$0x3FB0];
	_ =	sdelay $0x3  }
0x36: {  	p1 =	seq.s32 s10, $0x1;
	s10 =	sld [smem:$0x3FB1];
	_ =	sdelay $0x3  }
0x37: {  	[smem:$0x3FB1] =	sst s10  }
0x38: {  	s10 =	sld [smem:$0x3FB2]  }
0x39: {  	_ = 	snop;
	(pc) =	sbr.ind lr, $3  }
0x3a: {  	_ = 	snop  }
0x3b: {  	_ = 	snop  }
0x3c: {  	p2 =	seq.s32 s10, $0x1;
	s10 =	sld [smem:$0x3FB1]  }
0x3d: {  	_ =	shalt  }
0x3e: {  	_ =	shalt  }
0x3f: {  	_ =	shalt  }
0x40: {  	_ =	shalt  }
0x41: {  	_ =	shalt  }
0x42: {  	_ =	shalt  }
0x43: {  	_ =	shalt  }
0x44: {  	_ =	shalt  }
0x45: {  	_ =	shalt  }
0x46: {  	_ =	shalt  }
0x47: {  	_ =	shalt  }
0x48: {  	_ =	shalt  }
0x49: {  	_ =	shalt  }
0x4a: {  	_ =	shalt  }
0x4b: {  	_ =	shalt  }
0x4c: {  	_ =	shalt  }
0x4d: {  	_ =	shalt  }
0x4e: {  	_ =	shalt  }
0x4f: {  	_ =	shalt  }
0x50: {  	_ =	shalt  }
0x51: {  	_ =	shalt  }
0x52: {  	_ =	shalt  }
0x53: {  	_ =	shalt  }
0x54: {  	_ =	shalt  }
0x55: {  	_ =	shalt  }
0x56: {  	_ =	shalt  }
0x57: {  	_ =	shalt  }
0x58: {  	_ =	shalt  }
0x59: {  	_ =	shalt  }
0x5a: {  	_ =	shalt  }
0x5b: {  	_ =	shalt  }
0x5c: {  	_ =	shalt  }
0x5d: {  	_ =	shalt  }
0x5e: {  	_ =	shalt  }
0x5f: {  	_ =	shalt  }
0x60: {  	_ =	shalt  }
0x61: {  	_ =	shalt  }
0x62: {  	_ =	shalt  }
0x63: {  	_ =	shalt  }
0x64: {  	_ =	shalt  }
0x65: {  	_ =	shalt  }
0x66: {  	_ =	shalt  }
0x67: {  	_ =	shalt  }
0x68: {  	_ =	shalt  }
0x69: {  	_ =	shalt  }
0x6a: {  	_ =	shalt  }
0x6b: {  	_ =	shalt  }
0x6c: {  	_ =	shalt  }
0x6d: {  	_ =	shalt  }
0x6e: {  	_ =	shalt  }
0x6f: {  	_ =	shalt  }
0x70: {  	_ =	shalt  }
0x71: {  	_ =	shalt  }
0x72: {  	_ =	shalt  }
0x73: {  	_ =	shalt  }
0x74: {  	_ =	shalt  }
0x75: {  	_ =	shalt  }
0x76: {  	_ =	shalt  }
0x77: {  	_ =	shalt  }
0x78: {  	_ =	shalt  }
0x79: {  	_ =	shalt  }
0x7a: {  	_ =	shalt  }
0x7b: {  	_ =	shalt  }
0x7c: {  	_ =	shalt  }
0x7d: {  	_ =	shalt  }
0x7e: {  	_ =	shalt  }
0x7f: {  	_ =	shalt  }
0x80: {  	_ =	shalt  }
0x81: {  	_ =	shalt  }
0x82: {  	_ =	shalt  }
0x83: {  	_ =	shalt  }
0x84: {  	_ =	shalt  }
0x85: {  	_ =	shalt  }
0x86: {  	_ =	shalt  }
0x87: {  	_ =	shalt  }
.Lfunc_end0:
.L_simem_size_0:
called_computation_lowered:
.L_overlay_start_0:
0x88: {  	s0 =	sld [smem:$0x3FD9]  }
0x89: {  	s1 =	sld [smem:$0x3FFE];
	_ =	sdelay $0x3  }
0x8a: {  	s0 =	sadd.s32 s1, s0  }
0x8b: {  	[smem:$0x3FBD] =	sst s0  }
0x8c: {  	_ = 	snop  }
0x8d: {  	s0 =	sld [smem:$0x3FC3]  }
0x8e: {  	s16 =	sld [smem:$0x3FC1]  }
0x8f: {  	s2 =	sld [smem:$0x3FC0]  }
0x90: {  	s3 =	sld [smem:$0x3FBF]  }
0x91: {  	s4 =	sld [smem:$0x3FD0];
	(tm) =	ssettm $0x1  }
0x92: {  	s5 =	sld [smem:$0x3FFB];
	_ =	sdelay $0x3  }
0x93: {  	_ =	strace s5  }
0x94: {  	s5 =	sld [smem:$0x3FFC];
	_ =	sdelay $0x3  }
0x95: {  	_ =	strace s5  }
0x96: {  	s5 =	sld [smem:$0x3FFD];
	_ =	sdelay $0x3  }
0x97: {  	_ =	strace s5  }
0x98: {  	_ =	strace $0x8FFFFFFF  }
0x99: {  	s17 =	sld [smem:$0x3FDB];
	_ =	sdelay $0x1  }
0x9a: {  	s6 =	simm.s32 $_scs_section_size  }
0x9b: {  	s7 =	simm.s32 $_size__tile_overlayer_lowered;
	s8 =	simm.s32 $_tile_overlayer_lowered  }
0x9c: {  	s20 =	simm.s32 $0x1BFF;
	s19 =	sshll.u32 s8, $0x1;
	s5 =	sadd.s32 s6, s17  }
0x9d: {  	s9 =	simm.s32 $0x0;
	s18 =	sshll.u32 s7, $0x1;
	s7 =	sadd.s32 s19, s5  }
0x9e: {  	[timem:s9], [sflag:s20] =	dma.local [hbm:s7], s18  }
0x9f: {  	_ =	swait.ge [sflag:s20], s18  }
0xa0: {  	s6 =	ssub.s32 $0x0, s18;
	[sflag:s20] =	ssyncset.done $0x0  }
0xa1: {  	[sflag:s20] =	ssyncadd.s32 s6;
	_ =	sdelay $0x1  }
0xa2: {  	s21 =	simm.s32 $0x1B8B  }
0xa3: {  	_ =	swait.ge [sflag:s21], $0x1  }
0xa4: {  	[sflag:s21] =	ssyncset.done $0x0  }
0xa5: {  	s23 =	simm.s32 $0x1B8E;
	s22 =	sld [smem:$0x3FFE];
	[sflag:s21] =	ssyncadd.s32 $0xFFFFFFFF  }
0xa6: {  	s24 =	simm.s32 $execute0_lowered;
	[smem:$0x3FD2] =	sst s23  }
0xa7: {  	s7 =	sshll.u32 s24, $0x1;
	_ =	strace $0x80000046;
	[dreg:$0x1] =	wrdreg $0xFFFFFFFF  }
0xa8: {  	s25 =	simm.s32 $_size_execute0_lowered;
	s5 =	sadd.s32 s5, s7;
	[dreg:$0x0] =	wrdreg $0x0  }
0xa9: {  	s7 =	sshll.u32 s25, $0x1;
	[dreg:$0x2] =	wrdreg s5  }
0xaa: {  	[dreg:$0x3] =	wrdreg s7  }
0xab: {  	[dreg:$0x4] =	wrdreg $0xC0  }
0xac: {  	_ =	task [dreg:s9], $0x5FFFF  }
0xad: {  	[dreg:$0x1] =	wrdreg $0xFFFFFFFF  }
0xae: {  	[dreg:$0x0] =	wrdreg $0x60  }
0xaf: {  	[dreg:$0x2] =	wrdreg s22  }
0xb0: {  	[dreg:$0x3] =	wrdreg s0  }
0xb1: {  	[dreg:$0x4] =	wrdreg s16  }
0xb2: {  	[dreg:$0x5] =	wrdreg s2  }
0xb3: {  	[dreg:$0x6] =	wrdreg s3  }
0xb4: {  	[dreg:$0x7] =	wrdreg s4  }
0xb5: {  	[dreg:$0x8] =	wrdreg $0x9  }
0xb6: {  	_ =	task.clear_ibuf [dreg:s9], $0x9FFFF;
	_ =	strace $0x90000046  }
0xb7: {  	s26 =	simm.s32 $0x9;
	_ =	strace $0x80000048  }
0xb8: {  	_ =	swait.ge [sflag:s26], $0x1  }
0xb9: {  	[sflag:s26] =	ssyncadd.s32 $0xFFFFFFFF  }
0xba: {  	_ =	strace $0x90000048  }
0xbb: {  	_ =	sfence  }
0xbc: {  	s28 =	sld [smem:$0x0];
	_ =	sdelay $0x1  }
0xbd: {  	s29 =	srdreg.scid  }
0xbe: {  	s30 =	sshll.u32 s29, $0xD;
	s31 =	sshrl.u32 s29, $0x2  }
0xbf: {  	s1 =	sand.u32 $0x1, s29;
	s2 =	sand.u32 $0x4000, s30;
	s0 =	sadd.s32 s31, s28  }
0xc0: {  	s1 =	sor.u32 s2, s1;
	s0 =	sshll.u32 s0, $0x11  }
0xc1: {  	s0 =	sor.u32 s0, s1  }
0xc2: {  	s0 =	sadd.s32 $0x8F2B, s0  }
0xc3: {  	[sflag:s0] =	ssyncadd.remote.s32 $0x1  }
0xc4: {  	_ =	sfence.sel $0xFFFF  }
0xc5: {  	[dreg:$0x0] =	wrdreg $0xFFFFFFFF;
	(pc) =	sbr.abs _section_cstart, $3  }
0xc6: {  	[dreg:$0x1] =	wrdreg $0xFFFFFFFF  }
0xc7: {  	_ =	task.clear_ibuf [dreg:s9], $0x2FFFF;
	_ =	strace $0x9FFFFFFF  }
0xc8: {  	(tm) =	ssettm $0x7FFFFFFF  }
0xc9: {  	_ =	shalt  }
tec
execute0_lowered:
.L_overlay_start_1:
0x0: {  	(tag) =	ssettag $0x1  }
0x1: {  	s9 =	rddreg [dreg:$0x0]  }
0x2: {  	s6 =	rddreg [dreg:$0x1];
	s1 =	stileid.u32  }
0x3: {  	s12 =	rddreg [dreg:$0x2];
	p0 =	sgt.u32 s1, $0x6  }
.Ltmp0:
0x4: {  	s11 =	rddreg [dreg:$0x3];
	(pc) =	sbr.rel @p0 .LBB2_2-.Ltmp0, $4  }
0x5: {  	s10 =	rddreg [dreg:$0x4]  }
0x6: {  	s2 =	rddreg [dreg:$0x5];
	s3 =	simm.s32 $0x0  }
0x7: {  	[smem:$0x7FF] =	sst s3  }
0x8: {  	s0 =	rddreg [dreg:$0x6];
	_ =	strace $0x80000047  }
0x9: {  	s4 =	sadd.s32 $0x1A00, s9  }
0xa: {  	[tilespmem:s3], [sflag:$0x1] =	stream.linear.gather [hbm4b:s4+s3], $0x80, $0x38;
	[tilespmem:$0x680] =	vst v63  }
0xb: {  	s5 =	sadd.s32 $0x1C00, s9;
	s14 =	simm.s32 $0x80  }
0xc: {  	[tilespmem:s14], [sflag:$0x1] =	stream.linear.gather [hbm4b:s5+s3], $0x80, $0x38;
	[tilespmem:$0x680] =	vst v63  }
0xd: {  	s7 =	sadd.s32 $0x1600, s9;
	s15 =	simm.s32 $0x100  }
0xe: {  	[tilespmem:s15], [sflag:$0x1] =	stream.linear.gather [hbm4b:s7+s3], $0x80, $0x38;
	[tilespmem:$0x680] =	vst v63  }
0xf: {  	s16 =	simm.s32 $0x180  }
0x10: {  	[tilespmem:s16], [sflag:$0x1] =	stream.linear.gather [hbm4b:s6+s3], $0x80, $0x38;
	[tilespmem:$0x680] =	vst v63  }
0x11: {  	s8 =	sadd.s32 $0x1800, s9;
	s17 =	simm.s32 $0x200  }
0x12: {  	[tilespmem:s17], [sflag:$0x1] =	stream.linear.gather [hbm4b:s8+s3], $0x80, $0x38;
	[tilespmem:$0x680] =	vst v63  }
0x13: {  	s18 =	simm.s32 $0x280  }
0x14: {  	[tilespmem:s18], [sflag:$0x1] =	stream.linear.gather [hbm4b:s12+s3], $0x80, $0x38;
	[tilespmem:$0x680] =	vst v63  }
0x15: {  	s19 =	simm.s32 $0x308  }
0x16: {  	[tilespmem:s19], [sflag:$0x1] =	stream.linear.gather [hbm4b:s11+s3], $0x8, $0x38;
	[tilespmem:$0x680] =	vst v63  }
0x17: {  	s20 =	sadd.s32 $0x1E00, s9;
	s21 =	sshll.u32 s1, $0x1;
	s13 =	simm.s32 $0x310  }
0x18: {  	[tilespmem:s13], [sflag:$0x1] =	stream.linear.gather [hbm4b:s10+s3], $0x8, $0x38;
	[tilespmem:$0x680] =	vst v63  }
0x19: {  	s22 =	sadd.s32 $0x1200, s9;
	s23 =	simm.s32 $0x380;
	s11 =	sadd.s32 s20, s21  }
0x1a: {  	[tilespmem:s23], [sflag:$0x1] =	stream.linear.gather [hbm4b:s11+s3], $0x10, $0x38;
	[tilespmem:$0x680] =	vst v63  }
0x1b: {  	s24 =	sadd.s32 $0x1400, s9;
	s25 =	simm.s32 $0x400;
	s10 =	sadd.s32 s22, s21  }
0x1c: {  	[tilespmem:s25], [sflag:$0x1] =	stream.linear.gather [hbm4b:s10+s3], $0x10, $0x38;
	[tilespmem:$0x680] =	vst v63  }
0x1d: {  	s26 =	simm.s32 $0x480;
	s28 =	simm.s32 $0x1;
	s9 =	sadd.s32 s24, s21  }
0x1e: {  	[tilespmem:s26], [sflag:$0x1] =	stream.linear.gather [hbm4b:s9+s3], $0x10, $0x38;
	[tilespmem:$0x680] =	vst v63  }
0x1f: {  	_ =	swait.ge [sflag:s28], $0x80  }
0x20: {  	[sflag:s28] =	ssyncset.done $0x0  }
0x21: {  	[sflag:s28] =	ssyncadd.s32 $0xFFFFFF80  }
0x22: {  	_ =	swait.ge [sflag:s28], $0x80  }
0x23: {  	[sflag:s28] =	ssyncset.done $0x0  }
0x24: {  	[sflag:s28] =	ssyncadd.s32 $0xFFFFFF80  }
0x25: {  	_ =	swait.ge [sflag:s28], $0x80  }
0x26: {  	[sflag:s28] =	ssyncset.done $0x0  }
0x27: {  	[sflag:s28] =	ssyncadd.s32 $0xFFFFFF80  }
0x28: {  	_ =	swait.ge [sflag:s28], $0x80  }
0x29: {  	[sflag:s28] =	ssyncset.done $0x0  }
0x2a: {  	[sflag:s28] =	ssyncadd.s32 $0xFFFFFF80  }
0x2b: {  	_ =	swait.ge [sflag:s28], $0x80  }
0x2c: {  	[sflag:s28] =	ssyncset.done $0x0  }
0x2d: {  	[sflag:s28] =	ssyncadd.s32 $0xFFFFFF80  }
0x2e: {  	_ =	swait.ge [sflag:s28], $0x80  }
0x2f: {  	[sflag:s28] =	ssyncset.done $0x0  }
0x30: {  	[sflag:s28] =	ssyncadd.s32 $0xFFFFFF80  }
0x31: {  	_ =	swait.ge [sflag:s28], $0x8  }
0x32: {  	[sflag:s28] =	ssyncset.done $0x0  }
0x33: {  	[sflag:s28] =	ssyncadd.s32 $0xFFFFFFF8  }
0x34: {  	_ =	swait.ge [sflag:s28], $0x8  }
0x35: {  	[sflag:s28] =	ssyncset.done $0x0  }
0x36: {  	[sflag:s28] =	ssyncadd.s32 $0xFFFFFFF8  }
0x37: {  	_ =	swait.ge [sflag:s28], $0x10  }
0x38: {  	[sflag:s28] =	ssyncset.done $0x0  }
0x39: {  	[sflag:s28] =	ssyncadd.s32 $0xFFFFFFF0  }
0x3a: {  	v0 =	vlaneseq.u32;
	_ =	swait.ge [sflag:s28], $0x10  }
0x3b: {  	v1 =	vand.u32 $0x3, v0;
	v2 =	vshrl.u32 v0, $0x2;
	[sflag:s28] =	ssyncset.done $0x0  }
0x3c: {  	v2 =	vmul.u32 $0x3, v2;
	[sflag:s28] =	ssyncadd.s32 $0xFFFFFFF0  }
0x3d: {  	_ =	swait.ge [sflag:s28], $0x10  }
0x3e: {  	[sflag:s28] =	ssyncset.done $0x0  }
0x3f: {  	[sflag:s28] =	ssyncadd.s32 $0xFFFFFFF0  }
0x40: {  	v3 =	vld.idx.msk [tilespmem:v1+s16+$0x0], $0xffff  }
0x41: {  	v5 =	vadd.s32 $0x1, v2;
	v4 =	vld.idx.msk [tilespmem:v1+s18+$0x0], $0xffff  }
0x42: {  	v7 =	vor.u32 $0x4, v1;
	v6 =	vld.idx.msk [tilespmem:v2+s3+$0x0], $0xffff  }
0x43: {  	v8 =	vld.idx.msk [tilespmem:v1+s15+$0x0], $0xffff  }
0x44: {  	v9 =	vld.idx.msk [tilespmem:v2+s14+$0x0], $0xffff  }
0x45: {  	v11 =	vadd.s32 $0x2, v2;
	v10 =	vld.idx.msk [tilespmem:v1+s17+$0x0], $0xffff  }
0x46: {  	v13 =	vor.u32 $0x8, v1;
	v12 =	vld.idx.msk [tilespmem:v5+s3+$0x0], $0xffff  }
0x47: {  	v14 =	vld.idx.msk [tilespmem:v7+s15+$0x0], $0xffff  }
0x48: {  	v5 =	vld.idx.msk [tilespmem:v5+s14+$0x0], $0xffff  }
0x49: {  	v15 =	vld.idx.msk [tilespmem:v7+s17+$0x0], $0xffff  }
0x4a: {  	v16 =	vld.idx.msk [tilespmem:v11+s3+$0x0], $0xffff  }
0x4b: {  	v17 =	vld.idx.msk [tilespmem:v13+s15+$0x0], $0xffff  }
0x4c: {  	v11 =	vld.idx.msk [tilespmem:v11+s14+$0x0], $0xffff  }
0x4d: {  	v49 =	vld.idx.msk [tilespmem:v13+s17+$0x0], $0xffff;
	v6 =	vmul.f32 v8, v6  }
0x4e: {  	v9 =	vmul.f32 v10, v9  }
0x4f: {  	v50 =	vmul.f32 v14, v12;
	v3 =	vadd.f32 v6, v3  }
0x50: {  	v5 =	vmul.f32 v15, v5;
	v4 =	vadd.f32 v9, v4  }
0x51: {  	v51 =	vmul.f32 v17, v16;
	v3 =	vadd.f32 v50, v3  }
0x52: {  	v52 =	vmul.f32 v49, v11;
	v4 =	vadd.f32 v5, v4  }
0x53: {  	v3 =	vadd.f32 v51, v3  }
0x54: {  	v53 =	vadd.s32 $0xC, v2;
	v4 =	vadd.f32 v52, v4  }
0x55: {  	[tilespmem:$0x500] =	vst v3  }
0x56: {  	v54 =	vimm.s32 $0xC;
	[tilespmem:$0x520] =	vst v4  }
0x57: {  	v4 =	vld.idx.msk [tilespmem:v1+s16+$0x0], $0xffff  }
0x58: {  	v56 =	vadd.s32 $0xD, v2;
	v55 =	vld.idx.msk [tilespmem:v1+s18+$0x0], $0xffff  }
0x59: {  	v5 =	vld.idx.msk [tilespmem:v53+s3+$0x0], $0xffff  }
0x5a: {  	v58 =	vimm.s32 $0xD;
	v57 =	vld.idx.msk [tilespmem:v1+s15+$0x0], $0xffff  }
0x5b: {  	v59 =	vld.idx.msk [tilespmem:v54+s14+$0x0], $0xffff  }
0x5c: {  	v2 =	vadd.s32 $0xE, v2;
	v1 =	vld.idx.msk [tilespmem:v1+s17+$0x0], $0xffff  }
0x5d: {  	v8 =	vld.idx.msk [tilespmem:v56+s3+$0x0], $0xffff  }
0x5e: {  	v61 =	vimm.s32 $0xE;
	v60 =	vld.idx.msk [tilespmem:v7+s15+$0x0], $0xffff  }
0x5f: {  	v62 =	vld.idx.msk [tilespmem:v58+s14+$0x0], $0xffff  }
0x60: {  	v7 =	vld.idx.msk [tilespmem:v7+s17+$0x0], $0xffff  }
0x61: {  	v2 =	vld.idx.msk [tilespmem:v2+s3+$0x0], $0xffff  }
0x62: {  	v63 =	vld.idx.msk [tilespmem:v13+s15+$0x0], $0xffff  }
0x63: {  	v20 =	vld.idx.msk [tilespmem:v61+s14+$0x0], $0xffff  }
0x64: {  	v21 =	vld.idx.msk [tilespmem:v13+s17+$0x0], $0xffff;
	v5 =	vmul.f32 v57, v5  }
0x65: {  	v1 =	vmul.f32 v1, v59  }
0x66: {  	v22 =	vmul.f32 v60, v8;
	v4 =	vadd.f32 v5, v4  }
0x67: {  	v23 =	vmul.f32 v7, v62;
	v1 =	vadd.f32 v1, v55  }
0x68: {  	v2 =	vmul.f32 v63, v2;
	v4 =	vadd.f32 v22, v4  }
0x69: {  	v25 =	vimm.s32 $0x8;
	v24 =	vmul.f32 v21, v20;
	v1 =	vadd.f32 v23, v1  }
0x6a: {  	v2 =	vadd.f32 v2, v4  }
0x6b: {  	v26 =	vimm.s32 $0x10;
	v1 =	vadd.f32 v24, v1  }
0x6c: {  	[tilespmem:$0x510] =	vst v2  }
0x6d: {  	s29 =	simm.s32 $0x300;
	v27 =	vld [tilespmem:$0x380];
	[tilespmem:$0x530] =	vst v1  }
0x6e: {  	v2 =	vld.idx.msk [tilespmem:v25+s29+$0x0], $0xffff;
	_ =	sdelay $0x1  }
0x6f: {  	v4 =	vld.idx.msk [tilespmem:v26+s29+$0x0], $0xffff  }
0x70: {  	v0 =	vmul.u32 $0x10, v0;
	_ =	sdelay $0x1  }
0x71: {  	v28 =	vimm.s32 $0x9;
	v2 =	vmul.f32 v2, v27;
	_ =	sdelay $0x1  }
0x72: {  	v30 =	vimm.s32 $0x11;
	v2 =	vadd.f32 v4, v2  }
0x73: {  	s30 =	simm.s32 $0x580;
	v29 =	vld [tilespmem:$0x400]  }
0x74: {  	v31 =	vld [tilespmem:$0x480];
	[tilespmem:v0+s30+$0x0] =	vst.idx.msk $0xffff, v2  }
0x75: {  	v2 =	vld.idx.msk [tilespmem:v28+s29+$0x0], $0xffff;
	_ =	sdelay $0x1  }
0x76: {  	v4 =	vld.idx.msk [tilespmem:v30+s29+$0x0], $0xffff;
	_ =	sdelay $0x1  }
0x77: {  	v32 =	vor.u32 $0x1, v0  }
0x78: {  	v33 =	vimm.s32 $0xA;
	v2 =	vmul.f32 v2, v27;
	_ =	sdelay $0x1  }
0x79: {  	v34 =	vimm.s32 $0x12;
	v2 =	vadd.f32 v4, v2;
	_ =	sdelay $0x1  }
0x7a: {  	[tilespmem:v32+s30+$0x0] =	vst.idx.msk $0xffff, v2  }
0x7b: {  	v2 =	vld.idx.msk [tilespmem:v33+s29+$0x0], $0xffff;
	_ =	sdelay $0x1  }
0x7c: {  	v4 =	vld.idx.msk [tilespmem:v34+s29+$0x0], $0xffff;
	_ =	sdelay $0x1  }
0x7d: {  	v35 =	vor.u32 $0x2, v0  }
0x7e: {  	v36 =	vimm.s32 $0xB;
	v2 =	vmul.f32 v2, v27;
	_ =	sdelay $0x1  }
0x7f: {  	v37 =	vimm.s32 $0x13;
	v2 =	vadd.f32 v4, v2;
	_ =	sdelay $0x1  }
0x80: {  	[tilespmem:v35+s30+$0x0] =	vst.idx.msk $0xffff, v2  }
0x81: {  	v2 =	vld.idx.msk [tilespmem:v36+s29+$0x0], $0xffff;
	_ =	sdelay $0x1  }
0x82: {  	v4 =	vld.idx.msk [tilespmem:v37+s29+$0x0], $0xffff;
	_ =	sdelay $0x1  }
0x83: {  	v38 =	vor.u32 $0x3, v0  }
0x84: {  	v2 =	vmul.f32 v2, v27;
	_ =	sdelay $0x1  }
0x85: {  	v39 =	vimm.s32 $0x14;
	v2 =	vadd.f32 v4, v2;
	_ =	sdelay $0x1  }
0x86: {  	[tilespmem:v38+s30+$0x0] =	vst.idx.msk $0xffff, v2  }
0x87: {  	v2 =	vld.idx.msk [tilespmem:v54+s29+$0x0], $0xffff;
	_ =	sdelay $0x1  }
0x88: {  	v40 =	vld.idx.msk [tilespmem:v39+s29+$0x0], $0xffff;
	_ =	sdelay $0x1  }
0x89: {  	v41 =	vor.u32 $0x4, v0  }
0x8a: {  	v2 =	vmul.f32 v2, v27;
	_ =	sdelay $0x1  }
0x8b: {  	v42 =	vimm.s32 $0x15;
	v2 =	vadd.f32 v40, v2;
	_ =	sdelay $0x1  }
0x8c: {  	[tilespmem:v41+s30+$0x0] =	vst.idx.msk $0xffff, v2  }
0x8d: {  	v2 =	vld.idx.msk [tilespmem:v58+s29+$0x0], $0xffff;
	_ =	sdelay $0x1  }
0x8e: {  	v3 =	vld.idx.msk [tilespmem:v42+s29+$0x0], $0xffff;
	_ =	sdelay $0x1  }
0x8f: {  	v43 =	vor.u32 $0x5, v0  }
0x90: {  	v2 =	vmul.f32 v2, v27;
	_ =	sdelay $0x1  }
0x91: {  	v44 =	vimm.s32 $0x16;
	v2 =	vadd.f32 v3, v2;
	_ =	sdelay $0x1  }
0x92: {  	[tilespmem:v43+s30+$0x0] =	vst.idx.msk $0xffff, v2  }
0x93: {  	v2 =	vld.idx.msk [tilespmem:v61+s29+$0x0], $0xffff;
	_ =	sdelay $0x1  }
0x94: {  	v3 =	vld.idx.msk [tilespmem:v44+s29+$0x0], $0xffff;
	_ =	sdelay $0x1  }
0x95: {  	v45 =	vor.u32 $0x6, v0  }
0x96: {  	v46 =	vimm.s32 $0xF;
	v2 =	vmul.f32 v2, v27;
	_ =	sdelay $0x1  }
0x97: {  	v47 =	vimm.s32 $0x17;
	v2 =	vadd.f32 v3, v2;
	_ =	sdelay $0x1  }
0x98: {  	[tilespmem:v45+s30+$0x0] =	vst.idx.msk $0xffff, v2  }
0x99: {  	v2 =	vld.idx.msk [tilespmem:v46+s29+$0x0], $0xffff;
	_ =	sdelay $0x1  }
0x9a: {  	v3 =	vld.idx.msk [tilespmem:v47+s29+$0x0], $0xffff;
	_ =	sdelay $0x1  }
0x9b: {  	v48 =	vor.u32 $0x7, v0;
	v49 =	vshll.u32 v31, $0x2  }
0x9c: {  	v50 =	vadd.s32 $0x20, v49;
	v1 =	vmul.f32 v2, v27;
	_ =	sdelay $0x1  }
0x9d: {  	v1 =	vadd.f32 v3, v1;
	_ =	sdelay $0x1  }
0x9e: {  	s31 =	simm.s32 $0x500;
	[tilespmem:v48+s30+$0x0] =	vst.idx.msk $0xffff, v1  }
0x9f: {  	v51 =	vor.u32 $0x8, v0;
	v1 =	vld.idx.msk [tilespmem:v50+s31+$0x0], $0xffff  }
0xa0: {  	v52 =	vshll.u32 v29, $0x2;
	_ =	sdelay $0x3  }
0xa1: {  	[tilespmem:v51+s30+$0x0] =	vst.idx.msk $0xffff, v1  }
0xa2: {  	v53 =	vor.u32 $0xC, v0;
	v1 =	vld.idx.msk [tilespmem:v52+s31+$0x0], $0xffff  }
0xa3: {  	v54 =	vadd.s32 $0x21, v49;
	_ =	sdelay $0x3  }
0xa4: {  	[tilespmem:v53+s30+$0x0] =	vst.idx.msk $0xffff, v1  }
0xa5: {  	v55 =	vor.u32 $0x9, v0;
	v1 =	vld.idx.msk [tilespmem:v54+s31+$0x0], $0xffff  }
0xa6: {  	v56 =	vor.u32 $0x1, v52;
	_ =	sdelay $0x3  }
0xa7: {  	[tilespmem:v55+s30+$0x0] =	vst.idx.msk $0xffff, v1  }
0xa8: {  	v57 =	vor.u32 $0xD, v0;
	v1 =	vld.idx.msk [tilespmem:v56+s31+$0x0], $0xffff  }
0xa9: {  	v58 =	vadd.s32 $0x22, v49;
	_ =	sdelay $0x3  }
0xaa: {  	[tilespmem:v57+s30+$0x0] =	vst.idx.msk $0xffff, v1  }
0xab: {  	v59 =	vor.u32 $0xA, v0;
	v1 =	vld.idx.msk [tilespmem:v58+s31+$0x0], $0xffff  }
0xac: {  	v60 =	vor.u32 $0x2, v52;
	_ =	sdelay $0x3  }
0xad: {  	[tilespmem:v59+s30+$0x0] =	vst.idx.msk $0xffff, v1  }
0xae: {  	v61 =	vor.u32 $0xE, v0;
	v1 =	vld.idx.msk [tilespmem:v60+s31+$0x0], $0xffff  }
0xaf: {  	v62 =	vadd.s32 $0x23, v49;
	_ =	sdelay $0x3  }
0xb0: {  	[tilespmem:v61+s30+$0x0] =	vst.idx.msk $0xffff, v1  }
0xb1: {  	v63 =	vor.u32 $0xB, v0;
	v1 =	vld.idx.msk [tilespmem:v62+s31+$0x0], $0xffff  }
0xb2: {  	v3 =	vor.u32 $0x3, v52;
	_ =	sdelay $0x3  }
0xb3: {  	[tilespmem:v63+s30+$0x0] =	vst.idx.msk $0xffff, v1  }
0xb4: {  	v0 =	vor.u32 $0xF, v0;
	v1 =	vld.idx.msk [tilespmem:v3+s31+$0x0], $0xffff;
	_ =	sdelay $0x3  }
0xb5: {  	p0 =	seq.s32 s1, $0x6  }
0xb6: {  	s4 =	simm.s32 @p0 $0x0;
	s5 =	simm.s32 @p0 $0x580;
	s3 =	sadd.s32 @p0 $0xC0, s2;
	[tilespmem:v0+s30+$0x0] =	vst.idx.msk $0xffff, v1  }
0xb7: {  	[hbm4b:s3+s4] =	stream.linear.scatter @p0 [tilespmem:s5], [sflag:$0x2], $0x10, $0x38;
	[tilespmem:$0x680] =	vst v63  }
0xb8: {  	s3 =	simm.s32 @p0 $0x2  }
0xb9: {  	_ =	swait.ge @p0 [sflag:s3], $0x10  }
0xba: {  	[sflag:s3] =	ssyncset.done @p0 $0x0  }
0xbb: {  	[sflag:s3] =	ssyncadd.s32 @p0 $0xFFFFFFF0;
	s3 =	sshll.u32 @!p0 s1, $0x5  }
0xbc: {  	s4 =	simm.s32 @!p0 $0x580;
	s2 =	sadd.s32 @!p0 s2, s3;
	s3 =	simm.s32 @!p0 $0x0  }
0xbd: {  	[hbm4b:s2+s3] =	stream.linear.scatter @!p0 [tilespmem:s4], [sflag:$0x2], $0x100, $0x38;
	[tilespmem:$0x680] =	vst v63  }
0xbe: {  	s2 =	simm.s32 @!p0 $0x2  }
0xbf: {  	_ =	swait.ge @!p0 [sflag:s2], $0x100  }
0xc0: {  	[sflag:s2] =	ssyncset.done @!p0 $0x0  }
0xc1: {  	[sflag:s2] =	ssyncadd.s32 @!p0 $0xFFFFFF00  }
.LBB2_2:
0xc2: {  	_ =	sfence.sel $0x180000  }
0xc3: {  	[bflag:$0x0] =	sbarrier.arrive $0xFFFF  }
0xc4: {  	p0 =	sne.s32 s1, $0x0;
	_ =	strace $0x90000047  }
0xc5: {  	s0 =	sadd.s32 @!p0 $0x100000, s0;
	[bflag:$0x2] =	sbarrier.arrive $0xFFFF  }
0xc6: {  	[sflag:s0] =	ssyncadd.tile.s32 @!p0 $0x1;
	_ =	shalt  }
.Lfunc_end2:
_tile_overlayer_lowered:
.L_overlay_start_2:
0xc7: {  	(tag) =	ssettag $0x2  }
0xc8: {  	s0 =	rddreg [dreg:$0x0];
	s2 =	stileid.u32  }
0xc9: {  	s1 =	rddreg [dreg:$0x1];
	p0 =	sne.s32 s2, $0x0  }
0xca: {  	s3 =	rddreg [dreg:$0x2];
	[bflag:$0x3] =	sbarrier.arrive $0xFFFF;
	s2 =	simm.s32 @!p0 $0x1C02  }
0xcb: {  	[timem:s3], [sflag:s2] =	dma.local @!p0 [hbm:s0], s1  }
0xcc: {  	s0 =	simm.s32 @!p0 $0x2  }
0xcd: {  	_ =	swait.ge @!p0 [sflag:s0], s1  }
0xce: {  	s1 =	ssub.s32 @!p0 $0x0, s1;
	[sflag:s0] =	ssyncset.done @!p0 $0x0  }
0xcf: {  	[sflag:s0] =	ssyncadd.s32 @!p0 s1  }
0xd0: {  	[bflag:$0x3] =	sbarrier.arrive $0xFFFF  }
0xd1: {  	_ =	shalt  }

</sc_bundles>
